<compile_context>
chip_gen: v7x
topology: tpu7x:2x2x1
jax: 0.10.2.dev20260603
libtpu: 0.0.44.dev20260713+nightly
codegen_flags: <defaults>
</compile_context>

<pallas_src>
import functools

import jax
import jax.numpy as jnp
from jax import lax
from jax.experimental import pallas as pl
from jax.experimental.pallas import tpu as pltpu
from jax.experimental.pallas import tpu_sc as plsc

_B = 1024
_V = 100000

_info = plsc.get_sparse_core_info()
_L = _info.num_lanes
_NW = 16
_BPW = _B // _NW

_LN2 = 0.6931471805599453

_mesh = plsc.VectorSubcoreMesh(
    core_axis_name="c", subcore_axis_name="s", num_cores=1
)


def _neg_log(v):
    bits = lax.bitcast_convert_type(v, jnp.int32)
    e = lax.convert_element_type(
        lax.shift_right_logical(bits, 23) - 127, jnp.float32
    )
    m = lax.bitcast_convert_type(
        (bits & 0x7FFFFF) | 0x3F800000, jnp.float32
    )
    z = (m - 1.0) / (m + 1.0)
    z2 = z * z
    p = 1.0 + z2 * (
        1.0 / 3.0 + z2 * (1.0 / 5.0 + z2 * (1.0 / 7.0 + z2 * (1.0 / 9.0)))
    )
    return -(e * _LN2 + 2.0 * z * p)


@functools.partial(
    pl.kernel,
    mesh=_mesh,
    out_type=jax.ShapeDtypeStruct((1,), jnp.float32),
    scratch_types=[
        pltpu.VMEM((_BPW,), jnp.int32),
        pltpu.VMEM((_BPW, 128), jnp.float32),
        pltpu.VMEM((_L,), jnp.float32),
        pltpu.VMEM((_L,), jnp.float32),
        pltpu.VMEM_SHARED((_L,), jnp.float32),
        pltpu.SemaphoreType.DMA,
    ],
    compiler_params=pltpu.CompilerParams(
        needs_layout_passes=False, skip_device_barrier=True,
        disable_semaphore_checks=True
    ),
)
def _sc_loss(prdt_hbm, trg_hbm, out_hbm, idx_v, rows_v, acc_v, red_v,
             shared, sem):
    wid = lax.axis_index("s")
    base = wid * _BPW

    @pl.when(wid == 0)
    def _zero():
        acc_v[...] = jnp.zeros((_L,), jnp.float32)
        pltpu.sync_copy(acc_v, shared)

    plsc.subcore_barrier()
    pltpu.sync_copy(trg_hbm.at[pl.ds(base, _BPW)], idx_v)
    colb = pl.multiple_of((base // 128) * 128, 128)
    pltpu.async_copy(prdt_hbm.at[idx_v, pl.ds(colb, 128)], rows_v, sem).wait()
    acc = jnp.zeros((_L,), jnp.float32)
    for c in range(_BPW // _L):
        rows = c * _L + lax.broadcasted_iota(jnp.int32, (_L,), 0)
        cols = (base + rows) & 127
        acc = acc + _neg_log(plsc.load_gather(rows_v, [rows, cols]))
    acc_v[...] = acc
    lanes = lax.broadcasted_iota(jnp.int32, (_L,), 0)
    pltpu.sync_copy(acc_v, shared.at[lanes], add=True)
    plsc.subcore_barrier()

    @pl.when(wid == 0)
    def _reduce():
        pltpu.sync_copy(shared, red_v)
        total = jnp.sum(red_v[...])
        red_v[...] = jnp.full((_L,), total, jnp.float32)
        pltpu.sync_copy(red_v.at[pl.ds(0, 1)], out_hbm)


def kernel(prd, trg):
    vals = _sc_loss(prd.T, trg.astype(jnp.int32))
    return vals.reshape(())

# --- scband reference (transcript-rebuilt; emitter-appended) ---
"""Pipeline reference for scband-cross-entropy-loss-31233002177068 (READ-ONLY COPY).

The authoritative reference and input builder live on the scoring server;
editing this copy changes nothing except your own understanding.
"""

import jax, jax.numpy as jnp
import numpy as np


def setup_inputs(seed: int = 0) -> dict:
    key = jax.random.key(seed)
    k1, k2 = jax.random.split(key)
    # prd: probabilities in (0,1); fill=rand per spec
    prd = jax.random.uniform(k1, (1024, 100000), dtype=jnp.float32)
    trg = jax.random.randint(k2, (1024,), 0, 100000, dtype=jnp.int64) if jax.config.jax_enable_x64 else jax.random.randint(k2, (1024,), 0, 100000, dtype=jnp.int32)
    return {"prd": prd, "trg": trg}


def reference(prd, trg):
    # Faithful vectorization of the per-sample loop:
    #   batch_loss = sum_i -log(prd[i, trg[i]])
    gathered = jnp.take_along_axis(prd, trg[:, None].astype(jnp.int32), axis=1)[:, 0]
    batch_loss = jnp.sum(-jnp.log(gathered))
    return batch_loss

if __name__ == "__main__":
    import jax
    _d = setup_inputs()
    print(jax.jit(kernel)(*tuple(_d.values())))

</pallas_src>

<mosaic_0001>
#map = affine_map<(d0, d1) -> (0, 0)>
#map1 = affine_map<(d0, d1) -> (0)>
module attributes {stable_mosaic.version = 14 : i64} {
  func.func @_sc_loss(%arg0: i32, %arg1: i32, %arg2: memref<100000x1024xf32, #tpu.memory_space<hbm>>, %arg3: memref<1024xi32, #tpu.memory_space<hbm>>, %arg4: memref<1xf32, #tpu.memory_space<hbm>>, %arg5: memref<64xi32, #tpu.memory_space<vmem>>, %arg6: memref<64x128xf32, #tpu.memory_space<vmem>>, %arg7: memref<16xf32, #tpu.memory_space<vmem>>, %arg8: memref<16xf32, #tpu.memory_space<vmem>>, %arg9: memref<16xf32, #tpu.memory_space<vmem_shared>>, %arg10: memref<!tpu.dma_semaphore, #tpu.memory_space<semaphore_mem>>) attributes {dimension_semantics = [#tpu.dimension_semantics<core_parallel>, #tpu.dimension_semantics<subcore_parallel>], iteration_bounds = array<i64: 1, 16>, scalar_prefetch = 0 : i64, scratch_operands = 6 : i64, tpu.core_type = #tpu.core_type<sc_vector_subcore>, window_params = [{transform_indices = #map}, {transform_indices = #map1}, {transform_indices = #map1}]} {
    %mul3A = arith.constant 64 : i32
    %mul3A_0 = arith.muli %arg1, %mul3A : i32
    %eq3A = arith.constant 0 : i32
    %eq3A_1 = arith.cmpi eq, %arg1, %eq3A : i32
    %convert_element_type3A = arith.extui %eq3A_1 : i1 to i32
    %cond3A = arith.constant 0 : i32
    %cond3A_2 = arith.cmpi ne, %convert_element_type3A, %cond3A : i32
    scf.if %cond3A_2 {
      %broadcast_in_dim3A_277 = arith.constant 0.000000e+00 : f32
      %broadcast_in_dim3A_278 = vector.broadcast %broadcast_in_dim3A_277 : f32 to vector<16xf32>
      %swap3A_279 = arith.constant 0 : index
      %swap3A_280 = tpu.vector_load %arg7[%swap3A_279] {strides = array<i32>} : memref<16xf32, #tpu.memory_space<vmem>>, vector<16xf32>,
      tpu.vector_store %arg7[%swap3A_279], %broadcast_in_dim3A_278 {strides = array<i32>} : memref<16xf32, #tpu.memory_space<vmem>>, vector<16xf32>,
      "tpu.region"() ({
        %run_scoped3A = tpu.sem_alloc : memref<!tpu.dma_semaphore, #tpu.memory_space<semaphore_mem>>
        tpu.enqueue_dma source(%arg7 : memref<16xf32, #tpu.memory_space<vmem>>) target(%arg9 : memref<16xf32, #tpu.memory_space<vmem_shared>>) target_semaphore(%run_scoped3A : memref<!tpu.dma_semaphore, #tpu.memory_space<semaphore_mem>>)
        tpu.wait_dma2 semaphore(%run_scoped3A : memref<!tpu.dma_semaphore, #tpu.memory_space<semaphore_mem>>) src(%arg7 : memref<16xf32, #tpu.memory_space<vmem>>) dst(%arg9 : memref<16xf32, #tpu.memory_space<vmem_shared>>)
        tpu.yield
      }) : () -> ()
    } else {
    }
    %barrier3A = arith.constant 0 : index
    tpu.barrier barrier_id(%barrier3A)
    "tpu.region"() ({
      %run_scoped3A = tpu.sem_alloc : memref<!tpu.dma_semaphore, #tpu.memory_space<semaphore_mem>>
      %dma_start3A_277 = tpu.memref_slice %arg3[%mul3A_0] : memref<1024xi32, #tpu.memory_space<hbm>> -> memref<64xi32, #tpu.memory_space<hbm>>
      %dma_start3A_278 = tpu.memref_slice %arg3[%mul3A_0] : memref<1024xi32, #tpu.memory_space<hbm>> -> memref<64xi32, #tpu.memory_space<hbm>>
      tpu.enqueue_dma source(%dma_start3A_278 : memref<64xi32, #tpu.memory_space<hbm>>) target(%arg5 : memref<64xi32, #tpu.memory_space<vmem>>) target_semaphore(%run_scoped3A : memref<!tpu.dma_semaphore, #tpu.memory_space<semaphore_mem>>)
      %dma_wait3A_279 = tpu.memref_slice %arg3[%mul3A_0] : memref<1024xi32, #tpu.memory_space<hbm>> -> memref<64xi32, #tpu.memory_space<hbm>>
      %dma_wait3A_280 = tpu.memref_slice %arg3[%mul3A_0] : memref<1024xi32, #tpu.memory_space<hbm>> -> memref<64xi32, #tpu.memory_space<hbm>>
      tpu.wait_dma2 semaphore(%run_scoped3A : memref<!tpu.dma_semaphore, #tpu.memory_space<semaphore_mem>>) src(%dma_wait3A_280 : memref<64xi32, #tpu.memory_space<hbm>>) dst(%arg5 : memref<64xi32, #tpu.memory_space<vmem>>)
      tpu.yield
    }) : () -> ()
    %jit3A = arith.constant 128 : i32
    %div3A = arith.divsi %mul3A_0, %jit3A : i32
    %sign3A = arith.constant 0 : i32
    %sign3A_3 = arith.cmpi sgt, %mul3A_0, %sign3A : i32
    %sign3A_4 = arith.extui %sign3A_3 : i1 to i32
    %sign3A_5 = arith.constant 0 : i32
    %sign3A_6 = arith.cmpi slt, %mul3A_0, %sign3A_5 : i32
    %sign3A_7 = arith.extui %sign3A_6 : i1 to i32
    %sign3A_8 = arith.subi %sign3A_4, %sign3A_7 : i32
    %sign3A_9 = arith.constant 0 : i32
    %sign3A_10 = arith.cmpi sgt, %jit3A, %sign3A_9 : i32
    %sign3A_11 = arith.extui %sign3A_10 : i1 to i32
    %sign3A_12 = arith.constant 0 : i32
    %sign3A_13 = arith.cmpi slt, %jit3A, %sign3A_12 : i32
    %sign3A_14 = arith.extui %sign3A_13 : i1 to i32
    %sign3A_15 = arith.subi %sign3A_11, %sign3A_14 : i32
    %ne3A = arith.cmpi ne, %sign3A_8, %sign3A_15 : i32
    %rem3A = arith.remsi %mul3A_0, %jit3A : i32
    %ne3A_16 = arith.constant 0 : i32
    %ne3A_17 = arith.cmpi ne, %rem3A, %ne3A_16 : i32
    %and3A = arith.andi %ne3A, %ne3A_17 : i1
    %sub3A = arith.constant 1 : i32
    %sub3A_18 = arith.subi %div3A, %sub3A : i32
    %select_n3A = arith.select %and3A, %sub3A_18, %div3A : i32
    %mul3A_19 = arith.constant 128 : i32
    %mul3A_20 = arith.muli %select_n3A, %mul3A_19 : i32
    %multiple_of3A = tpu.assume_multiple %mul3A_20, 128 : i32
    %dma_start3A = arith.constant 0 : i32
    %dma_start3A_21 = tpu.memref_slice %arg2[%dma_start3A, %multiple_of3A] : memref<100000x1024xf32, #tpu.memory_space<hbm>> -> memref<100000x128xf32, #tpu.memory_space<hbm>>
    tpu.enqueue_indirect_dma source(%dma_start3A_21 : memref<100000x128xf32, #tpu.memory_space<hbm>>) target(%arg6 : memref<64x128xf32, #tpu.memory_space<vmem>>) offsets(%arg5 : memref<64xi32, #tpu.memory_space<vmem>>) semaphore(%arg10 : memref<!tpu.dma_semaphore, #tpu.memory_space<semaphore_mem>>)
    %dma_wait3A = arith.constant 0 : i32
    %dma_wait3A_22 = tpu.memref_slice %arg2[%dma_wait3A, %multiple_of3A] : memref<100000x1024xf32, #tpu.memory_space<hbm>> -> memref<100000x128xf32, #tpu.memory_space<hbm>>
    tpu.wait_indirect_dma semaphore(%arg10 : memref<!tpu.dma_semaphore, #tpu.memory_space<semaphore_mem>>) src(%dma_wait3A_22 : memref<100000x128xf32, #tpu.memory_space<hbm>>) dst(%arg6 : memref<64x128xf32, #tpu.memory_space<vmem>>)
    %broadcast_in_dim3A = arith.constant 0.000000e+00 : f32
    %broadcast_in_dim3A_23 = vector.broadcast %broadcast_in_dim3A : f32 to vector<16xf32>
    %iota3A = tpu.iota {dimensions = array<i32: 0>} : vector<16xi32>
    %add3A = arith.constant 0 : i32
    %add3A_24 = vector.broadcast %add3A : i32 to vector<16xi32>
    %add3A_25 = arith.addi %add3A_24, %iota3A : vector<16xi32>
    %add3A_26 = vector.broadcast %mul3A_0 : i32 to vector<16xi32>
    %add3A_27 = arith.addi %add3A_26, %add3A_25 : vector<16xi32>
    %and3A_28 = arith.constant 127 : i32
    %and3A_29 = vector.broadcast %and3A_28 : i32 to vector<16xi32>
    %and3A_30 = arith.andi %add3A_27, %and3A_29 : vector<16xi32>
    %gather3A = tpu.vector_load_idx %arg6[%add3A_25, %and3A_30] : memref<64x128xf32, #tpu.memory_space<vmem>>[vector<16xi32>, vector<16xi32>], vector<16xf32>,
    %bitcast_convert_type3A = tpu.bitcast %gather3A : vector<16xf32> -> vector<16xi32>
    %shift_right_logical3A = arith.constant 23 : i32
    %shift_right_logical3A_31 = vector.broadcast %shift_right_logical3A : i32 to vector<16xi32>
    %shift_right_logical3A_32 = arith.shrui %bitcast_convert_type3A, %shift_right_logical3A_31 : vector<16xi32>
    %sub3A_33 = arith.constant 127 : i32
    %sub3A_34 = vector.broadcast %sub3A_33 : i32 to vector<16xi32>
    %sub3A_35 = arith.subi %shift_right_logical3A_32, %sub3A_34 : vector<16xi32>
    %convert_element_type3A_36 = arith.sitofp %sub3A_35 : vector<16xi32> to vector<16xf32>
    %and3A_37 = arith.constant 8388607 : i32
    %and3A_38 = vector.broadcast %and3A_37 : i32 to vector<16xi32>
    %and3A_39 = arith.andi %bitcast_convert_type3A, %and3A_38 : vector<16xi32>
    %or3A = arith.constant 1065353216 : i32
    %or3A_40 = vector.broadcast %or3A : i32 to vector<16xi32>
    %or3A_41 = arith.ori %and3A_39, %or3A_40 : vector<16xi32>
    %bitcast_convert_type3A_42 = tpu.bitcast %or3A_41 : vector<16xi32> -> vector<16xf32>
    %sub3A_43 = arith.constant 1.000000e+00 : f32
    %sub3A_44 = vector.broadcast %sub3A_43 : f32 to vector<16xf32>
    %sub3A_45 = arith.subf %bitcast_convert_type3A_42, %sub3A_44 : vector<16xf32>
    %add3A_46 = arith.constant 1.000000e+00 : f32
    %add3A_47 = vector.broadcast %add3A_46 : f32 to vector<16xf32>
    %add3A_48 = arith.addf %bitcast_convert_type3A_42, %add3A_47 : vector<16xf32>
    %div3A_49 = arith.divf %sub3A_45, %add3A_48 : vector<16xf32>
    %mul3A_50 = arith.mulf %div3A_49, %div3A_49 : vector<16xf32>
    %mul3A_51 = arith.constant 0.111111112 : f32
    %mul3A_52 = vector.broadcast %mul3A_51 : f32 to vector<16xf32>
    %mul3A_53 = arith.mulf %mul3A_50, %mul3A_52 : vector<16xf32>
    %add3A_54 = arith.constant 0.142857149 : f32
    %add3A_55 = vector.broadcast %add3A_54 : f32 to vector<16xf32>
    %add3A_56 = arith.addf %add3A_55, %mul3A_53 : vector<16xf32>
    %mul3A_57 = arith.mulf %mul3A_50, %add3A_56 : vector<16xf32>
    %add3A_58 = arith.constant 2.000000e-01 : f32
    %add3A_59 = vector.broadcast %add3A_58 : f32 to vector<16xf32>
    %add3A_60 = arith.addf %add3A_59, %mul3A_57 : vector<16xf32>
    %mul3A_61 = arith.mulf %mul3A_50, %add3A_60 : vector<16xf32>
    %add3A_62 = arith.constant 0.333333343 : f32
    %add3A_63 = vector.broadcast %add3A_62 : f32 to vector<16xf32>
    %add3A_64 = arith.addf %add3A_63, %mul3A_61 : vector<16xf32>
    %mul3A_65 = arith.mulf %mul3A_50, %add3A_64 : vector<16xf32>
    %add3A_66 = arith.constant 1.000000e+00 : f32
    %add3A_67 = vector.broadcast %add3A_66 : f32 to vector<16xf32>
    %add3A_68 = arith.addf %add3A_67, %mul3A_65 : vector<16xf32>
    %mul3A_69 = arith.constant 0.693147182 : f32
    %mul3A_70 = vector.broadcast %mul3A_69 : f32 to vector<16xf32>
    %mul3A_71 = arith.mulf %convert_element_type3A_36, %mul3A_70 : vector<16xf32>
    %mul3A_72 = arith.constant 2.000000e+00 : f32
    %mul3A_73 = vector.broadcast %mul3A_72 : f32 to vector<16xf32>
    %mul3A_74 = arith.mulf %mul3A_73, %div3A_49 : vector<16xf32>
    %mul3A_75 = arith.mulf %mul3A_74, %add3A_68 : vector<16xf32>
    %add3A_76 = arith.addf %mul3A_71, %mul3A_75 : vector<16xf32>
    %neg3A = arith.constant 0.000000e+00 : f32
    %neg3A_77 = vector.broadcast %neg3A : f32 to vector<16xf32>
    %neg3A_78 = arith.subf %neg3A_77, %add3A_76 : vector<16xf32>
    %add3A_79 = arith.addf %broadcast_in_dim3A_23, %neg3A_78 : vector<16xf32>
    %iota3A_80 = tpu.iota {dimensions = array<i32: 0>} : vector<16xi32>
    %add3A_81 = arith.constant 16 : i32
    %add3A_82 = vector.broadcast %add3A_81 : i32 to vector<16xi32>
    %add3A_83 = arith.addi %add3A_82, %iota3A_80 : vector<16xi32>
    %add3A_84 = vector.broadcast %mul3A_0 : i32 to vector<16xi32>
    %add3A_85 = arith.addi %add3A_84, %add3A_83 : vector<16xi32>
    %and3A_86 = arith.constant 127 : i32
    %and3A_87 = vector.broadcast %and3A_86 : i32 to vector<16xi32>
    %and3A_88 = arith.andi %add3A_85, %and3A_87 : vector<16xi32>
    %gather3A_89 = tpu.vector_load_idx %arg6[%add3A_83, %and3A_88] : memref<64x128xf32, #tpu.memory_space<vmem>>[vector<16xi32>, vector<16xi32>], vector<16xf32>,
    %bitcast_convert_type3A_90 = tpu.bitcast %gather3A_89 : vector<16xf32> -> vector<16xi32>
    %shift_right_logical3A_91 = arith.constant 23 : i32
    %shift_right_logical3A_92 = vector.broadcast %shift_right_logical3A_91 : i32 to vector<16xi32>
    %shift_right_logical3A_93 = arith.shrui %bitcast_convert_type3A_90, %shift_right_logical3A_92 : vector<16xi32>
    %sub3A_94 = arith.constant 127 : i32
    %sub3A_95 = vector.broadcast %sub3A_94 : i32 to vector<16xi32>
    %sub3A_96 = arith.subi %shift_right_logical3A_93, %sub3A_95 : vector<16xi32>
    %convert_element_type3A_97 = arith.sitofp %sub3A_96 : vector<16xi32> to vector<16xf32>
    %and3A_98 = arith.constant 8388607 : i32
    %and3A_99 = vector.broadcast %and3A_98 : i32 to vector<16xi32>
    %and3A_100 = arith.andi %bitcast_convert_type3A_90, %and3A_99 : vector<16xi32>
    %or3A_101 = arith.constant 1065353216 : i32
    %or3A_102 = vector.broadcast %or3A_101 : i32 to vector<16xi32>
    %or3A_103 = arith.ori %and3A_100, %or3A_102 : vector<16xi32>
    %bitcast_convert_type3A_104 = tpu.bitcast %or3A_103 : vector<16xi32> -> vector<16xf32>
    %sub3A_105 = arith.constant 1.000000e+00 : f32
    %sub3A_106 = vector.broadcast %sub3A_105 : f32 to vector<16xf32>
    %sub3A_107 = arith.subf %bitcast_convert_type3A_104, %sub3A_106 : vector<16xf32>
    %add3A_108 = arith.constant 1.000000e+00 : f32
    %add3A_109 = vector.broadcast %add3A_108 : f32 to vector<16xf32>
    %add3A_110 = arith.addf %bitcast_convert_type3A_104, %add3A_109 : vector<16xf32>
    %div3A_111 = arith.divf %sub3A_107, %add3A_110 : vector<16xf32>
    %mul3A_112 = arith.mulf %div3A_111, %div3A_111 : vector<16xf32>
    %mul3A_113 = arith.constant 0.111111112 : f32
    %mul3A_114 = vector.broadcast %mul3A_113 : f32 to vector<16xf32>
    %mul3A_115 = arith.mulf %mul3A_112, %mul3A_114 : vector<16xf32>
    %add3A_116 = arith.constant 0.142857149 : f32
    %add3A_117 = vector.broadcast %add3A_116 : f32 to vector<16xf32>
    %add3A_118 = arith.addf %add3A_117, %mul3A_115 : vector<16xf32>
    %mul3A_119 = arith.mulf %mul3A_112, %add3A_118 : vector<16xf32>
    %add3A_120 = arith.constant 2.000000e-01 : f32
    %add3A_121 = vector.broadcast %add3A_120 : f32 to vector<16xf32>
    %add3A_122 = arith.addf %add3A_121, %mul3A_119 : vector<16xf32>
    %mul3A_123 = arith.mulf %mul3A_112, %add3A_122 : vector<16xf32>
    %add3A_124 = arith.constant 0.333333343 : f32
    %add3A_125 = vector.broadcast %add3A_124 : f32 to vector<16xf32>
    %add3A_126 = arith.addf %add3A_125, %mul3A_123 : vector<16xf32>
    %mul3A_127 = arith.mulf %mul3A_112, %add3A_126 : vector<16xf32>
    %add3A_128 = arith.constant 1.000000e+00 : f32
    %add3A_129 = vector.broadcast %add3A_128 : f32 to vector<16xf32>
    %add3A_130 = arith.addf %add3A_129, %mul3A_127 : vector<16xf32>
    %mul3A_131 = arith.constant 0.693147182 : f32
    %mul3A_132 = vector.broadcast %mul3A_131 : f32 to vector<16xf32>
    %mul3A_133 = arith.mulf %convert_element_type3A_97, %mul3A_132 : vector<16xf32>
    %mul3A_134 = arith.constant 2.000000e+00 : f32
    %mul3A_135 = vector.broadcast %mul3A_134 : f32 to vector<16xf32>
    %mul3A_136 = arith.mulf %mul3A_135, %div3A_111 : vector<16xf32>
    %mul3A_137 = arith.mulf %mul3A_136, %add3A_130 : vector<16xf32>
    %add3A_138 = arith.addf %mul3A_133, %mul3A_137 : vector<16xf32>
    %neg3A_139 = arith.constant 0.000000e+00 : f32
    %neg3A_140 = vector.broadcast %neg3A_139 : f32 to vector<16xf32>
    %neg3A_141 = arith.subf %neg3A_140, %add3A_138 : vector<16xf32>
    %add3A_142 = arith.addf %add3A_79, %neg3A_141 : vector<16xf32>
    %iota3A_143 = tpu.iota {dimensions = array<i32: 0>} : vector<16xi32>
    %add3A_144 = arith.constant 32 : i32
    %add3A_145 = vector.broadcast %add3A_144 : i32 to vector<16xi32>
    %add3A_146 = arith.addi %add3A_145, %iota3A_143 : vector<16xi32>
    %add3A_147 = vector.broadcast %mul3A_0 : i32 to vector<16xi32>
    %add3A_148 = arith.addi %add3A_147, %add3A_146 : vector<16xi32>
    %and3A_149 = arith.constant 127 : i32
    %and3A_150 = vector.broadcast %and3A_149 : i32 to vector<16xi32>
    %and3A_151 = arith.andi %add3A_148, %and3A_150 : vector<16xi32>
    %gather3A_152 = tpu.vector_load_idx %arg6[%add3A_146, %and3A_151] : memref<64x128xf32, #tpu.memory_space<vmem>>[vector<16xi32>, vector<16xi32>], vector<16xf32>,
    %bitcast_convert_type3A_153 = tpu.bitcast %gather3A_152 : vector<16xf32> -> vector<16xi32>
    %shift_right_logical3A_154 = arith.constant 23 : i32
    %shift_right_logical3A_155 = vector.broadcast %shift_right_logical3A_154 : i32 to vector<16xi32>
    %shift_right_logical3A_156 = arith.shrui %bitcast_convert_type3A_153, %shift_right_logical3A_155 : vector<16xi32>
    %sub3A_157 = arith.constant 127 : i32
    %sub3A_158 = vector.broadcast %sub3A_157 : i32 to vector<16xi32>
    %sub3A_159 = arith.subi %shift_right_logical3A_156, %sub3A_158 : vector<16xi32>
    %convert_element_type3A_160 = arith.sitofp %sub3A_159 : vector<16xi32> to vector<16xf32>
    %and3A_161 = arith.constant 8388607 : i32
    %and3A_162 = vector.broadcast %and3A_161 : i32 to vector<16xi32>
    %and3A_163 = arith.andi %bitcast_convert_type3A_153, %and3A_162 : vector<16xi32>
    %or3A_164 = arith.constant 1065353216 : i32
    %or3A_165 = vector.broadcast %or3A_164 : i32 to vector<16xi32>
    %or3A_166 = arith.ori %and3A_163, %or3A_165 : vector<16xi32>
    %bitcast_convert_type3A_167 = tpu.bitcast %or3A_166 : vector<16xi32> -> vector<16xf32>
    %sub3A_168 = arith.constant 1.000000e+00 : f32
    %sub3A_169 = vector.broadcast %sub3A_168 : f32 to vector<16xf32>
    %sub3A_170 = arith.subf %bitcast_convert_type3A_167, %sub3A_169 : vector<16xf32>
    %add3A_171 = arith.constant 1.000000e+00 : f32
    %add3A_172 = vector.broadcast %add3A_171 : f32 to vector<16xf32>
    %add3A_173 = arith.addf %bitcast_convert_type3A_167, %add3A_172 : vector<16xf32>
    %div3A_174 = arith.divf %sub3A_170, %add3A_173 : vector<16xf32>
    %mul3A_175 = arith.mulf %div3A_174, %div3A_174 : vector<16xf32>
    %mul3A_176 = arith.constant 0.111111112 : f32
    %mul3A_177 = vector.broadcast %mul3A_176 : f32 to vector<16xf32>
    %mul3A_178 = arith.mulf %mul3A_175, %mul3A_177 : vector<16xf32>
    %add3A_179 = arith.constant 0.142857149 : f32
    %add3A_180 = vector.broadcast %add3A_179 : f32 to vector<16xf32>
    %add3A_181 = arith.addf %add3A_180, %mul3A_178 : vector<16xf32>
    %mul3A_182 = arith.mulf %mul3A_175, %add3A_181 : vector<16xf32>
    %add3A_183 = arith.constant 2.000000e-01 : f32
    %add3A_184 = vector.broadcast %add3A_183 : f32 to vector<16xf32>
    %add3A_185 = arith.addf %add3A_184, %mul3A_182 : vector<16xf32>
    %mul3A_186 = arith.mulf %mul3A_175, %add3A_185 : vector<16xf32>
    %add3A_187 = arith.constant 0.333333343 : f32
    %add3A_188 = vector.broadcast %add3A_187 : f32 to vector<16xf32>
    %add3A_189 = arith.addf %add3A_188, %mul3A_186 : vector<16xf32>
    %mul3A_190 = arith.mulf %mul3A_175, %add3A_189 : vector<16xf32>
    %add3A_191 = arith.constant 1.000000e+00 : f32
    %add3A_192 = vector.broadcast %add3A_191 : f32 to vector<16xf32>
    %add3A_193 = arith.addf %add3A_192, %mul3A_190 : vector<16xf32>
    %mul3A_194 = arith.constant 0.693147182 : f32
    %mul3A_195 = vector.broadcast %mul3A_194 : f32 to vector<16xf32>
    %mul3A_196 = arith.mulf %convert_element_type3A_160, %mul3A_195 : vector<16xf32>
    %mul3A_197 = arith.constant 2.000000e+00 : f32
    %mul3A_198 = vector.broadcast %mul3A_197 : f32 to vector<16xf32>
    %mul3A_199 = arith.mulf %mul3A_198, %div3A_174 : vector<16xf32>
    %mul3A_200 = arith.mulf %mul3A_199, %add3A_193 : vector<16xf32>
    %add3A_201 = arith.addf %mul3A_196, %mul3A_200 : vector<16xf32>
    %neg3A_202 = arith.constant 0.000000e+00 : f32
    %neg3A_203 = vector.broadcast %neg3A_202 : f32 to vector<16xf32>
    %neg3A_204 = arith.subf %neg3A_203, %add3A_201 : vector<16xf32>
    %add3A_205 = arith.addf %add3A_142, %neg3A_204 : vector<16xf32>
    %iota3A_206 = tpu.iota {dimensions = array<i32: 0>} : vector<16xi32>
    %add3A_207 = arith.constant 48 : i32
    %add3A_208 = vector.broadcast %add3A_207 : i32 to vector<16xi32>
    %add3A_209 = arith.addi %add3A_208, %iota3A_206 : vector<16xi32>
    %add3A_210 = vector.broadcast %mul3A_0 : i32 to vector<16xi32>
    %add3A_211 = arith.addi %add3A_210, %add3A_209 : vector<16xi32>
    %and3A_212 = arith.constant 127 : i32
    %and3A_213 = vector.broadcast %and3A_212 : i32 to vector<16xi32>
    %and3A_214 = arith.andi %add3A_211, %and3A_213 : vector<16xi32>
    %gather3A_215 = tpu.vector_load_idx %arg6[%add3A_209, %and3A_214] : memref<64x128xf32, #tpu.memory_space<vmem>>[vector<16xi32>, vector<16xi32>], vector<16xf32>,
    %bitcast_convert_type3A_216 = tpu.bitcast %gather3A_215 : vector<16xf32> -> vector<16xi32>
    %shift_right_logical3A_217 = arith.constant 23 : i32
    %shift_right_logical3A_218 = vector.broadcast %shift_right_logical3A_217 : i32 to vector<16xi32>
    %shift_right_logical3A_219 = arith.shrui %bitcast_convert_type3A_216, %shift_right_logical3A_218 : vector<16xi32>
    %sub3A_220 = arith.constant 127 : i32
    %sub3A_221 = vector.broadcast %sub3A_220 : i32 to vector<16xi32>
    %sub3A_222 = arith.subi %shift_right_logical3A_219, %sub3A_221 : vector<16xi32>
    %convert_element_type3A_223 = arith.sitofp %sub3A_222 : vector<16xi32> to vector<16xf32>
    %and3A_224 = arith.constant 8388607 : i32
    %and3A_225 = vector.broadcast %and3A_224 : i32 to vector<16xi32>
    %and3A_226 = arith.andi %bitcast_convert_type3A_216, %and3A_225 : vector<16xi32>
    %or3A_227 = arith.constant 1065353216 : i32
    %or3A_228 = vector.broadcast %or3A_227 : i32 to vector<16xi32>
    %or3A_229 = arith.ori %and3A_226, %or3A_228 : vector<16xi32>
    %bitcast_convert_type3A_230 = tpu.bitcast %or3A_229 : vector<16xi32> -> vector<16xf32>
    %sub3A_231 = arith.constant 1.000000e+00 : f32
    %sub3A_232 = vector.broadcast %sub3A_231 : f32 to vector<16xf32>
    %sub3A_233 = arith.subf %bitcast_convert_type3A_230, %sub3A_232 : vector<16xf32>
    %add3A_234 = arith.constant 1.000000e+00 : f32
    %add3A_235 = vector.broadcast %add3A_234 : f32 to vector<16xf32>
    %add3A_236 = arith.addf %bitcast_convert_type3A_230, %add3A_235 : vector<16xf32>
    %div3A_237 = arith.divf %sub3A_233, %add3A_236 : vector<16xf32>
    %mul3A_238 = arith.mulf %div3A_237, %div3A_237 : vector<16xf32>
    %mul3A_239 = arith.constant 0.111111112 : f32
    %mul3A_240 = vector.broadcast %mul3A_239 : f32 to vector<16xf32>
    %mul3A_241 = arith.mulf %mul3A_238, %mul3A_240 : vector<16xf32>
    %add3A_242 = arith.constant 0.142857149 : f32
    %add3A_243 = vector.broadcast %add3A_242 : f32 to vector<16xf32>
    %add3A_244 = arith.addf %add3A_243, %mul3A_241 : vector<16xf32>
    %mul3A_245 = arith.mulf %mul3A_238, %add3A_244 : vector<16xf32>
    %add3A_246 = arith.constant 2.000000e-01 : f32
    %add3A_247 = vector.broadcast %add3A_246 : f32 to vector<16xf32>
    %add3A_248 = arith.addf %add3A_247, %mul3A_245 : vector<16xf32>
    %mul3A_249 = arith.mulf %mul3A_238, %add3A_248 : vector<16xf32>
    %add3A_250 = arith.constant 0.333333343 : f32
    %add3A_251 = vector.broadcast %add3A_250 : f32 to vector<16xf32>
    %add3A_252 = arith.addf %add3A_251, %mul3A_249 : vector<16xf32>
    %mul3A_253 = arith.mulf %mul3A_238, %add3A_252 : vector<16xf32>
    %add3A_254 = arith.constant 1.000000e+00 : f32
    %add3A_255 = vector.broadcast %add3A_254 : f32 to vector<16xf32>
    %add3A_256 = arith.addf %add3A_255, %mul3A_253 : vector<16xf32>
    %mul3A_257 = arith.constant 0.693147182 : f32
    %mul3A_258 = vector.broadcast %mul3A_257 : f32 to vector<16xf32>
    %mul3A_259 = arith.mulf %convert_element_type3A_223, %mul3A_258 : vector<16xf32>
    %mul3A_260 = arith.constant 2.000000e+00 : f32
    %mul3A_261 = vector.broadcast %mul3A_260 : f32 to vector<16xf32>
    %mul3A_262 = arith.mulf %mul3A_261, %div3A_237 : vector<16xf32>
    %mul3A_263 = arith.mulf %mul3A_262, %add3A_256 : vector<16xf32>
    %add3A_264 = arith.addf %mul3A_259, %mul3A_263 : vector<16xf32>
    %neg3A_265 = arith.constant 0.000000e+00 : f32
    %neg3A_266 = vector.broadcast %neg3A_265 : f32 to vector<16xf32>
    %neg3A_267 = arith.subf %neg3A_266, %add3A_264 : vector<16xf32>
    %add3A_268 = arith.addf %add3A_205, %neg3A_267 : vector<16xf32>
    %swap3A = arith.constant 0 : index
    %swap3A_269 = tpu.vector_load %arg7[%swap3A] {strides = array<i32>} : memref<16xf32, #tpu.memory_space<vmem>>, vector<16xf32>,
    tpu.vector_store %arg7[%swap3A], %add3A_268 {strides = array<i32>} : memref<16xf32, #tpu.memory_space<vmem>>, vector<16xf32>,
    %iota3A_270 = tpu.iota {dimensions = array<i32: 0>} : vector<16xi32>
    "tpu.region"() ({
      %run_scoped3A = tpu.sem_alloc : memref<!tpu.dma_semaphore, #tpu.memory_space<semaphore_mem>>
      %dma_start3A_277 = arith.constant 0 : i32
      %dma_start3A_278 = tpu.memref_slice %arg9[%dma_start3A_277] : memref<16xf32, #tpu.memory_space<vmem_shared>> -> memref<16xf32, #tpu.memory_space<vmem_shared>>
      tpu.enqueue_indirect_dma source(%arg7 : memref<16xf32, #tpu.memory_space<vmem>>) target(%dma_start3A_278 : memref<16xf32, #tpu.memory_space<vmem_shared>>) offsets(%iota3A_270 : vector<16xi32>) semaphore(%run_scoped3A : memref<!tpu.dma_semaphore, #tpu.memory_space<semaphore_mem>>) {add = true}
      %dma_wait3A_279 = arith.constant 0 : i32
      %dma_wait3A_280 = tpu.memref_slice %arg9[%dma_wait3A_279] : memref<16xf32, #tpu.memory_space<vmem_shared>> -> memref<16xf32, #tpu.memory_space<vmem_shared>>
      tpu.wait_indirect_dma semaphore(%run_scoped3A : memref<!tpu.dma_semaphore, #tpu.memory_space<semaphore_mem>>) src(%arg7 : memref<16xf32, #tpu.memory_space<vmem>>) dst(%dma_wait3A_280 : memref<16xf32, #tpu.memory_space<vmem_shared>>)
      tpu.yield
    }) : () -> ()
    %barrier3A_271 = arith.constant 0 : index
    tpu.barrier barrier_id(%barrier3A_271)
    %eq3A_272 = arith.constant 0 : i32
    %eq3A_273 = arith.cmpi eq, %arg1, %eq3A_272 : i32
    %convert_element_type3A_274 = arith.extui %eq3A_273 : i1 to i32
    %cond3A_275 = arith.constant 0 : i32
    %cond3A_276 = arith.cmpi ne, %convert_element_type3A_274, %cond3A_275 : i32
    scf.if %cond3A_276 {
      "tpu.region"() ({
        %run_scoped3A = tpu.sem_alloc : memref<!tpu.dma_semaphore, #tpu.memory_space<semaphore_mem>>
        tpu.enqueue_dma source(%arg9 : memref<16xf32, #tpu.memory_space<vmem_shared>>) target(%arg8 : memref<16xf32, #tpu.memory_space<vmem>>) target_semaphore(%run_scoped3A : memref<!tpu.dma_semaphore, #tpu.memory_space<semaphore_mem>>)
        tpu.wait_dma2 semaphore(%run_scoped3A : memref<!tpu.dma_semaphore, #tpu.memory_space<semaphore_mem>>) src(%arg9 : memref<16xf32, #tpu.memory_space<vmem_shared>>) dst(%arg8 : memref<16xf32, #tpu.memory_space<vmem>>)
        tpu.yield
      }) : () -> ()
      %get3A = arith.constant 0 : index
      %get3A_277 = tpu.vector_load %arg8[%get3A] {strides = array<i32>} : memref<16xf32, #tpu.memory_space<vmem>>, vector<16xf32>,
      %reduce_sum3A = arith.constant true
      %reduce_sum3A_278 = vector.broadcast %reduce_sum3A : i1 to vector<16xi1>
      %reduce_sum3A_279 = tpu.scan <sum>, %get3A_277 masked %reduce_sum3A_278 : vector<16xf32>, vector<16xi1> -> vector<16xf32>
      %reduce_sum3A_280 = vector.extract %reduce_sum3A_279[15] : f32 from vector<16xf32>
      %broadcast_in_dim3A_281 = vector.broadcast %reduce_sum3A_280 : f32 to vector<16xf32>
      %swap3A_282 = arith.constant 0 : index
      %swap3A_283 = tpu.vector_load %arg8[%swap3A_282] {strides = array<i32>} : memref<16xf32, #tpu.memory_space<vmem>>, vector<16xf32>,
      tpu.vector_store %arg8[%swap3A_282], %broadcast_in_dim3A_281 {strides = array<i32>} : memref<16xf32, #tpu.memory_space<vmem>>, vector<16xf32>,
      "tpu.region"() ({
        %run_scoped3A = tpu.sem_alloc : memref<!tpu.dma_semaphore, #tpu.memory_space<semaphore_mem>>
        %dma_start3A_284 = arith.constant 0 : i32
        %dma_start3A_285 = tpu.memref_slice %arg8[%dma_start3A_284] : memref<16xf32, #tpu.memory_space<vmem>> -> memref<1xf32, #tpu.memory_space<vmem>>
        %dma_start3A_286 = arith.constant 0 : i32
        %dma_start3A_287 = tpu.memref_slice %arg8[%dma_start3A_286] : memref<16xf32, #tpu.memory_space<vmem>> -> memref<1xf32, #tpu.memory_space<vmem>>
        tpu.enqueue_dma source(%dma_start3A_287 : memref<1xf32, #tpu.memory_space<vmem>>) target(%arg4 : memref<1xf32, #tpu.memory_space<hbm>>) target_semaphore(%run_scoped3A : memref<!tpu.dma_semaphore, #tpu.memory_space<semaphore_mem>>)
        %dma_wait3A_288 = arith.constant 0 : i32
        %dma_wait3A_289 = tpu.memref_slice %arg8[%dma_wait3A_288] : memref<16xf32, #tpu.memory_space<vmem>> -> memref<1xf32, #tpu.memory_space<vmem>>
        %dma_wait3A_290 = arith.constant 0 : i32
        %dma_wait3A_291 = tpu.memref_slice %arg8[%dma_wait3A_290] : memref<16xf32, #tpu.memory_space<vmem>> -> memref<1xf32, #tpu.memory_space<vmem>>
        tpu.wait_dma2 semaphore(%run_scoped3A : memref<!tpu.dma_semaphore, #tpu.memory_space<semaphore_mem>>) src(%dma_wait3A_291 : memref<1xf32, #tpu.memory_space<vmem>>) dst(%arg4 : memref<1xf32, #tpu.memory_space<hbm>>)
        tpu.yield
      }) : () -> ()
    } else {
    }
    return
  }
}

</mosaic_0001>

<sc_bundles>
// kernel: kernel.3.cloned.1.call-start
scs
__scs_entry_jumppad:
0x0: {  	(pc) =	sbr.rel $0x88, $3  }
0x1: {  	(tag) =	ssettag $0x0;
	lr =	simm.s32 $0x1  }
0x2: {  	[smem:$0x3F9F] =	sst lr;
	_ =	strace $0xD0000000  }
0x3: {  	_ = 	snop  }
0x4: {  	_ = 	snop  }
0x5: {  	_ = 	snop  }
0x6: {  	_ = 	snop  }
0x7: {  	_ = 	snop  }
__scs_overlays_trampoline_lowered:
0x8: {  	[smem:$0x3FAE] =	sst s0  }
0x9: {  	[smem:$0x3FAF] =	sst s1  }
0xa: {  	[smem:$0x3FB0] =	sst s2  }
0xb: {  	[smem:$0x3FB1] =	sst s3  }
0xc: {  	[smem:$0x3FB2] =	sst s4  }
0xd: {  	[smem:$0x3FB3] =	sst s5  }
0xe: {  	[smem:$0x3FB4] =	sst s6  }
0xf: {  	[smem:$0x3FB5] =	sst s7  }
0x10: {  	[smem:$0x3FB6] =	sst s8  }
0x11: {  	[smem:$0x3FB7] =	sst s9;
	s0 =	simm.s32 @!p0 $0x0  }
0x12: {  	s1 =	sld [smem:$0x3F9D];
	s0 =	simm.s32 @p0 $0x1  }
0x13: {  	[smem:$0x3FB8] =	sst s0;
	s0 =	simm.s32 @!p1 $0x0  }
0x14: {  	s2 =	sld [smem:$0x3F9C];
	s0 =	simm.s32 @p1 $0x1  }
0x15: {  	[smem:$0x3FB9] =	sst s0;
	s0 =	simm.s32 @!p2 $0x0  }
0x16: {  	s3 =	sld [smem:$0x3FDB];
	s0 =	simm.s32 @p2 $0x1  }
0x17: {  	s4 =	simm.s32 $0x1BF5;
	[smem:$0x3FBB] =	sst s0  }
0x18: {  	s0 =	sld [smem:$0x3F9E];
	_ =	swait.ge [sflag:s4], $0x0  }
0x19: {  	s7 =	sld [smem:$0x3F9F]  }
0x1a: {  	s8 =	sadd.s32 $0xFFFFE003, lr  }
0x1b: {  	s9 =	sadd.s32 $0xFFFFFEF7, lr;
	s5 =	simm.s32 $0xFFFFFFFF;
	p2 =	slt.u32 s8, $0xFFFFF086  }
0x1c: {  	p1 =	slt.u32 s9, $0xF7A;
	s5 =	simm.s32 @!p2 $0x0  }
0x1d: {  	s5 =	simm.s32 @p1 $0x1;
	p0 =	seq.s32 s7, s2  }
0x1e: {  	s7 =	smul.u32 @!p0 $0xF7A, s2;
	p2 =	seq.s32 @!p0 s5, $0x0  }
0x1f: {  	s9 =	smul.u32 $0xF7A, s1;
	s8 =	simm.s32 @!p0 $0x1BF5;
	p2 =	por !p2, p0  }
0x20: {  	[sflag:s8] =	ssyncset.s32 @!p0 $0xFFFFF086;
	s6 =	sadd.s32 @!p0 s3, s7;
	s7 =	simm.s32 @!p0 $0x108  }
0x21: {  	s3 =	sadd.s32 s3, s9;
	s6 =	sadd.s32 @!p0 $0x88, s6;
	s7 =	simm.s32 @p2 $0x1082  }
0x22: {  	[simem:s7], [sflag:s8] =	dma.local @!p0 [hbm:s6], $0xF7A  }
0x23: {  	s9 =	sor.u32 $0xD0000000, s2;
	s6 =	simm.s32 $0x108;
	_ =	swait.ge @!p0 [sflag:s8], $0x0  }
0x24: {  	s3 =	sadd.s32 $0x88, s3;
	s6 =	simm.s32 @!p1 $0x1082;
	[sflag:s4] =	ssyncset.s32 $0xFFFFF086  }
0x25: {  	[simem:s6], [sflag:s4] =	dma.local [hbm:s3], $0xF7A  }
0x26: {  	[smem:$0x3F9F] =	sst s1;
	(tag) =	ssettag s2;
	_ =	strace s9  }
0x27: {  	s1 =	sld [smem:$0x3FAF]  }
0x28: {  	s2 =	sld [smem:$0x3FB0]  }
0x29: {  	s4 =	sld [smem:$0x3FB2]  }
0x2a: {  	p0 =	seq.s32 s5, $0x0;
	s5 =	sld [smem:$0x3FB3]  }
0x2b: {  	s6 =	sld [smem:$0x3FB4]  }
0x2c: {  	s7 =	sld [smem:$0x3FB5]  }
0x2d: {  	s3 =	simm.s32 $0x108;
	s8 =	sld [smem:$0x3FB6]  }
0x2e: {  	s3 =	simm.s32 @!p0 $0x1082;
	s9 =	sld [smem:$0x3FB7]  }
0x2f: {  	lr =	sadd.s32 s0, s3;
	s0 =	sld [smem:$0x3FAE]  }
0x30: {  	s3 =	sld [smem:$0x3FB1]  }
0x31: {  	[smem:$0x3FBA] =	sst s10  }
0x32: {  	s10 =	sld [smem:$0x3FB8];
	_ =	sdelay $0x3  }
0x33: {  	p0 =	seq.s32 s10, $0x1;
	s10 =	sld [smem:$0x3FBA];
	_ =	sdelay $0x3  }
0x34: {  	[smem:$0x3FBA] =	sst s10  }
0x35: {  	s10 =	sld [smem:$0x3FB9];
	_ =	sdelay $0x3  }
0x36: {  	p1 =	seq.s32 s10, $0x1;
	s10 =	sld [smem:$0x3FBA];
	_ =	sdelay $0x3  }
0x37: {  	[smem:$0x3FBA] =	sst s10  }
0x38: {  	s10 =	sld [smem:$0x3FBB]  }
0x39: {  	_ = 	snop;
	(pc) =	sbr.ind lr, $3  }
0x3a: {  	_ = 	snop  }
0x3b: {  	_ = 	snop  }
0x3c: {  	p2 =	seq.s32 s10, $0x1;
	s10 =	sld [smem:$0x3FBA]  }
0x3d: {  	_ =	shalt  }
0x3e: {  	_ =	shalt  }
0x3f: {  	_ =	shalt  }
0x40: {  	_ =	shalt  }
0x41: {  	_ =	shalt  }
0x42: {  	_ =	shalt  }
0x43: {  	_ =	shalt  }
0x44: {  	_ =	shalt  }
0x45: {  	_ =	shalt  }
0x46: {  	_ =	shalt  }
0x47: {  	_ =	shalt  }
0x48: {  	_ =	shalt  }
0x49: {  	_ =	shalt  }
0x4a: {  	_ =	shalt  }
0x4b: {  	_ =	shalt  }
0x4c: {  	_ =	shalt  }
0x4d: {  	_ =	shalt  }
0x4e: {  	_ =	shalt  }
0x4f: {  	_ =	shalt  }
0x50: {  	_ =	shalt  }
0x51: {  	_ =	shalt  }
0x52: {  	_ =	shalt  }
0x53: {  	_ =	shalt  }
0x54: {  	_ =	shalt  }
0x55: {  	_ =	shalt  }
0x56: {  	_ =	shalt  }
0x57: {  	_ =	shalt  }
0x58: {  	_ =	shalt  }
0x59: {  	_ =	shalt  }
0x5a: {  	_ =	shalt  }
0x5b: {  	_ =	shalt  }
0x5c: {  	_ =	shalt  }
0x5d: {  	_ =	shalt  }
0x5e: {  	_ =	shalt  }
0x5f: {  	_ =	shalt  }
0x60: {  	_ =	shalt  }
0x61: {  	_ =	shalt  }
0x62: {  	_ =	shalt  }
0x63: {  	_ =	shalt  }
0x64: {  	_ =	shalt  }
0x65: {  	_ =	shalt  }
0x66: {  	_ =	shalt  }
0x67: {  	_ =	shalt  }
0x68: {  	_ =	shalt  }
0x69: {  	_ =	shalt  }
0x6a: {  	_ =	shalt  }
0x6b: {  	_ =	shalt  }
0x6c: {  	_ =	shalt  }
0x6d: {  	_ =	shalt  }
0x6e: {  	_ =	shalt  }
0x6f: {  	_ =	shalt  }
0x70: {  	_ =	shalt  }
0x71: {  	_ =	shalt  }
0x72: {  	_ =	shalt  }
0x73: {  	_ =	shalt  }
0x74: {  	_ =	shalt  }
0x75: {  	_ =	shalt  }
0x76: {  	_ =	shalt  }
0x77: {  	_ =	shalt  }
0x78: {  	_ =	shalt  }
0x79: {  	_ =	shalt  }
0x7a: {  	_ =	shalt  }
0x7b: {  	_ =	shalt  }
0x7c: {  	_ =	shalt  }
0x7d: {  	_ =	shalt  }
0x7e: {  	_ =	shalt  }
0x7f: {  	_ =	shalt  }
0x80: {  	_ =	shalt  }
0x81: {  	_ =	shalt  }
0x82: {  	_ =	shalt  }
0x83: {  	_ =	shalt  }
0x84: {  	_ =	shalt  }
0x85: {  	_ =	shalt  }
0x86: {  	_ =	shalt  }
0x87: {  	_ =	shalt  }
.Lfunc_end0:
.L_simem_size_0:
called_computation_lowered:
.L_overlay_start_0:
0x88: {  	s0 =	sld [smem:$0x3FD9]  }
0x89: {  	s1 =	sld [smem:$0x3FFE];
	_ =	sdelay $0x3  }
0x8a: {  	s0 =	sadd.s32 s1, s0  }
0x8b: {  	[smem:$0x3FC6] =	sst s0  }
0x8c: {  	_ = 	snop  }
0x8d: {  	s0 =	sld [smem:$0x3FC9]  }
0x8e: {  	s17 =	sld [smem:$0x3FC8]  }
0x8f: {  	s2 =	sld [smem:$0x3FD0];
	(tm) =	ssettm $0x1  }
0x90: {  	s3 =	sld [smem:$0x3FFB];
	_ =	sdelay $0x3  }
0x91: {  	_ =	strace s3  }
0x92: {  	s3 =	sld [smem:$0x3FFC];
	_ =	sdelay $0x3  }
0x93: {  	_ =	strace s3  }
0x94: {  	s3 =	sld [smem:$0x3FFD];
	_ =	sdelay $0x3  }
0x95: {  	_ =	strace s3  }
0x96: {  	_ =	strace $0x8FFFFFFF  }
0x97: {  	s18 =	sld [smem:$0x3FDB];
	_ =	sdelay $0x1  }
0x98: {  	s4 =	simm.s32 $_scs_section_size  }
0x99: {  	s5 =	simm.s32 $_size__tile_overlayer_lowered;
	s6 =	simm.s32 $_tile_overlayer_lowered  }
0x9a: {  	s21 =	simm.s32 $0x1BFF;
	s20 =	sshll.u32 s6, $0x1;
	s3 =	sadd.s32 s4, s18  }
0x9b: {  	s7 =	simm.s32 $0x0;
	s19 =	sshll.u32 s5, $0x1;
	s5 =	sadd.s32 s20, s3  }
0x9c: {  	[timem:s7], [sflag:s21] =	dma.local [hbm:s5], s19  }
0x9d: {  	_ =	swait.ge [sflag:s21], s19  }
0x9e: {  	s4 =	ssub.s32 $0x0, s19;
	[sflag:s21] =	ssyncset.done $0x0  }
0x9f: {  	[sflag:s21] =	ssyncadd.s32 s4;
	_ =	sdelay $0x1  }
0xa0: {  	s22 =	simm.s32 $0x1B8B  }
0xa1: {  	_ =	swait.ge [sflag:s22], $0x1  }
0xa2: {  	[sflag:s22] =	ssyncset.done $0x0  }
0xa3: {  	s23 =	simm.s32 $0x1B8E;
	[sflag:s22] =	ssyncadd.s32 $0xFFFFFFFF  }
0xa4: {  	s24 =	simm.s32 $execute0_lowered;
	[smem:$0x3FD2] =	sst s23  }
0xa5: {  	s4 =	sshll.u32 s24, $0x1;
	_ =	strace $0x80000046;
	[dreg:$0x1] =	wrdreg $0xFFFFFFFF  }
0xa6: {  	s25 =	simm.s32 $_size_execute0_lowered;
	s3 =	sadd.s32 s3, s4;
	[dreg:$0x0] =	wrdreg $0x0  }
0xa7: {  	s4 =	sshll.u32 s25, $0x1;
	[dreg:$0x2] =	wrdreg s3  }
0xa8: {  	[dreg:$0x3] =	wrdreg s4  }
0xa9: {  	[dreg:$0x4] =	wrdreg $0xC0  }
0xaa: {  	_ =	task [dreg:s7], $0x5FFFF  }
0xab: {  	[dreg:$0x1] =	wrdreg $0xFFFFFFFF  }
0xac: {  	[dreg:$0x0] =	wrdreg $0x60  }
0xad: {  	[dreg:$0x2] =	wrdreg s0  }
0xae: {  	[dreg:$0x3] =	wrdreg s17  }
0xaf: {  	[dreg:$0x4] =	wrdreg s2  }
0xb0: {  	[dreg:$0x5] =	wrdreg $0x21800  }
0xb1: {  	[dreg:$0x6] =	wrdreg $0x9  }
0xb2: {  	_ =	task.clear_ibuf [dreg:s7], $0x7FFFF;
	_ =	strace $0x90000046  }
0xb3: {  	s26 =	simm.s32 $0x9;
	_ =	strace $0x80000048  }
0xb4: {  	_ =	swait.ge [sflag:s26], $0x1  }
0xb5: {  	[sflag:s26] =	ssyncadd.s32 $0xFFFFFFFF  }
0xb6: {  	_ =	strace $0x90000048  }
0xb7: {  	_ =	sfence  }
0xb8: {  	s28 =	sld [smem:$0x0];
	_ =	sdelay $0x1  }
0xb9: {  	s29 =	srdreg.scid  }
0xba: {  	s30 =	sshll.u32 s29, $0xD;
	s31 =	sshrl.u32 s29, $0x2  }
0xbb: {  	s1 =	sand.u32 $0x1, s29;
	s2 =	sand.u32 $0x4000, s30;
	s0 =	sadd.s32 s31, s28  }
0xbc: {  	s1 =	sor.u32 s2, s1;
	s0 =	sshll.u32 s0, $0x11  }
0xbd: {  	s0 =	sor.u32 s0, s1  }
0xbe: {  	s0 =	sadd.s32 $0x8F2B, s0  }
0xbf: {  	[sflag:s0] =	ssyncadd.remote.s32 $0x1  }
0xc0: {  	_ =	sfence.sel $0xFFFF  }
0xc1: {  	[dreg:$0x0] =	wrdreg $0xFFFFFFFF;
	(pc) =	sbr.abs _section_cstart, $3  }
0xc2: {  	[dreg:$0x1] =	wrdreg $0xFFFFFFFF  }
0xc3: {  	_ =	task.clear_ibuf [dreg:s7], $0x2FFFF;
	_ =	strace $0x9FFFFFFF  }
0xc4: {  	(tm) =	ssettm $0x7FFFFFFF  }
0xc5: {  	_ =	shalt  }
tec
execute0_lowered:
.L_overlay_start_1:
0x0: {  	(tag) =	ssettag $0x1  }
0x1: {  	s6 =	rddreg [dreg:$0x0]  }
0x2: {  	s4 =	rddreg [dreg:$0x1]  }
0x3: {  	s1 =	rddreg [dreg:$0x2];
	s7 =	stileid.u32  }
0x4: {  	s3 =	rddreg [dreg:$0x3];
	s5 =	simm.s32 $0x0;
	p0 =	sne.s32 s7, $0x0  }
0x5: {  	[smem:$0x7FF] =	sst s5;
	v0 =	vimm.f32 @!p0 $0.0e+00  }
0x6: {  	s0 =	rddreg [dreg:$0x4];
	_ =	strace $0x80000047;
	s2 =	simm.s32 @!p0 $0x2080;
	[tilespmem:$0x2080] =	vst @!p0 v0  }
0x7: {  	[spmem:s3] =	stream.linear.scatter @!p0 [tilespmem:s2], [sflag:$0x2], $0x80, $0x38;
	[tilespmem:$0x2188] =	vst v63  }
0x8: {  	s2 =	simm.s32 @!p0 $0x2  }
0x9: {  	_ =	swait.ge @!p0 [sflag:s2], $0x80  }
0xa: {  	[sflag:s2] =	ssyncset.done @!p0 $0x0  }
0xb: {  	s8 =	sshll.u32 s7, $0x3;
	[sflag:s2] =	ssyncadd.s32 @!p0 $0xFFFFFF80  }
0xc: {  	s4 =	sadd.s32 s4, s8;
	[bflag:$0x0] =	sbarrier.arrive $0xFFFF  }
0xd: {  	[tilespmem:s5], [sflag:$0x2] =	stream.linear.gather [hbm4b:s4+s5], $0x40, $0x38;
	[tilespmem:$0x2188] =	vst v63  }
0xe: {  	s4 =	simm.s32 $0x2  }
0xf: {  	_ =	swait.ge [sflag:s4], $0x40  }
0x10: {  	[sflag:s4] =	ssyncset.done $0x0  }
0x11: {  	[sflag:s4] =	ssyncadd.s32 $0xFFFFFFC0  }
0x12: {  	v36 =	vld [tilespmem:$0x0];
	_ =	sdelay $0x4  }
0x13: {  	v1 =	vshll.u32 v36, $0x3  }
0x14: {  	v2 =	vand.u32 $0x7, v36;
	v1 =	vand.u32 $0xFFFFFFC0, v1  }
0x15: {  	v0 =	vlaneseq.u32;
	v18 =	vor.u32 v2, v1;
	v2 =	vimm.s32 $0x0  }
0x16: {  	v1 =	vmul.u32 $0x8, v0;
	v4 =	vperm.xlane v18, v2  }
0x17: {  	v3 =	vimm.s32 $0x1  }
0x18: {  	v5 =	vperm.xlane v18, v3;
	v6 =	vadd.s32 v1, v4  }
0x19: {  	v4 =	vimm.s32 $0x2  }
0x1a: {  	s7 =	sshll.u32 s7, $0x6;
	v7 =	vadd.s32 v1, v5;
	v8 =	vperm.xlane v18, v4  }
0x1b: {  	s30 =	sand.u32 $0x380, s7;
	v5 =	vimm.s32 $0x3  }
0x1c: {  	vm0 =	vmmov $0x1;
	s8 =	sadd.s32 s6, s30;
	s6 =	simm.s32 $0x80;
	v9 =	vperm.xlane v18, v5;
	v8 =	vadd.s32 v1, v8  }
0x1d: {  	[tilespmem:s6], [sflag:$0x1] =	stream.indirect_vreg.gather [hbm4b:s8+s5], $0x80, v6, vm0, $0xb8;
	v6 =	vimm.s32 $0x4;
	[tilespmem:$0x2188] =	vst v63  }
0x1e: {  	s9 =	simm.s32 $0x100;
	v10 =	vadd.s32 v1, v9;
	v37 =	vperm.xlane v18, v6  }
0x1f: {  	[tilespmem:s9], [sflag:$0x1] =	stream.indirect_vreg.gather [hbm4b:s8+s5], $0x80, v7, vm0, $0xb8;
	v7 =	vimm.s32 $0x5;
	[tilespmem:$0x2188] =	vst v63  }
0x20: {  	s31 =	simm.s32 $0x180;
	v11 =	vadd.s32 v1, v37;
	v12 =	vperm.xlane v18, v7  }
0x21: {  	v9 =	vimm.s32 $0x6;
	[tilespmem:s31], [sflag:$0x1] =	stream.indirect_vreg.gather [hbm4b:s8+s5], $0x80, v8, vm0, $0xb8;
	[tilespmem:$0x2188] =	vst v63  }
0x22: {  	s10 =	simm.s32 $0x200;
	v13 =	vperm.xlane v18, v9;
	v12 =	vadd.s32 v1, v12  }
0x23: {  	v8 =	vimm.s32 $0x7;
	[tilespmem:s10], [sflag:$0x1] =	stream.indirect_vreg.gather [hbm4b:s8+s5], $0x80, v10, vm0, $0xb8;
	[tilespmem:$0x2188] =	vst v63  }
0x24: {  	s11 =	simm.s32 $0x280;
	v13 =	vadd.s32 v1, v13;
	v14 =	vperm.xlane v18, v8  }
0x25: {  	v10 =	vimm.s32 $0x8;
	[tilespmem:s11], [sflag:$0x1] =	stream.indirect_vreg.gather [hbm4b:s8+s5], $0x80, v11, vm0, $0xb8;
	[tilespmem:$0x2188] =	vst v63  }
0x26: {  	s12 =	simm.s32 $0x300;
	v14 =	vadd.s32 v1, v14;
	v15 =	vperm.xlane v18, v10  }
0x27: {  	v11 =	vimm.s32 $0x9;
	[tilespmem:s12], [sflag:$0x1] =	stream.indirect_vreg.gather [hbm4b:s8+s5], $0x80, v12, vm0, $0xb8;
	[tilespmem:$0x2188] =	vst v63  }
0x28: {  	s13 =	simm.s32 $0x380;
	v15 =	vadd.s32 v1, v15;
	v16 =	vperm.xlane v18, v11  }
0x29: {  	v12 =	vimm.s32 $0xA;
	[tilespmem:s13], [sflag:$0x1] =	stream.indirect_vreg.gather [hbm4b:s8+s5], $0x80, v13, vm0, $0xb8;
	[tilespmem:$0x2188] =	vst v63  }
0x2a: {  	s14 =	simm.s32 $0x400;
	v16 =	vadd.s32 v1, v16;
	v17 =	vperm.xlane v18, v12  }
0x2b: {  	v13 =	vimm.s32 $0xB;
	[tilespmem:s14], [sflag:$0x1] =	stream.indirect_vreg.gather [hbm4b:s8+s5], $0x80, v14, vm0, $0xb8;
	[tilespmem:$0x2188] =	vst v63  }
0x2c: {  	s15 =	simm.s32 $0x480;
	v17 =	vadd.s32 v1, v17;
	v19 =	vperm.xlane v18, v13  }
0x2d: {  	v14 =	vimm.s32 $0xC;
	[tilespmem:s15], [sflag:$0x1] =	stream.indirect_vreg.gather [hbm4b:s8+s5], $0x80, v15, vm0, $0xb8;
	[tilespmem:$0x2188] =	vst v63  }
0x2e: {  	s16 =	simm.s32 $0x500;
	v19 =	vadd.s32 v1, v19;
	v20 =	vperm.xlane v18, v14  }
0x2f: {  	v15 =	vimm.s32 $0xD;
	[tilespmem:s16], [sflag:$0x1] =	stream.indirect_vreg.gather [hbm4b:s8+s5], $0x80, v16, vm0, $0xb8;
	[tilespmem:$0x2188] =	vst v63  }
0x30: {  	s17 =	simm.s32 $0x580;
	v20 =	vadd.s32 v1, v20;
	v21 =	vperm.xlane v18, v15  }
0x31: {  	v16 =	vimm.s32 $0xE;
	[tilespmem:s17], [sflag:$0x1] =	stream.indirect_vreg.gather [hbm4b:s8+s5], $0x80, v17, vm0, $0xb8;
	[tilespmem:$0x2188] =	vst v63  }
0x32: {  	s18 =	simm.s32 $0x600;
	v21 =	vadd.s32 v1, v21;
	v22 =	vperm.xlane v18, v16  }
0x33: {  	v17 =	vimm.s32 $0xF;
	[tilespmem:s18], [sflag:$0x1] =	stream.indirect_vreg.gather [hbm4b:s8+s5], $0x80, v19, vm0, $0xb8;
	[tilespmem:$0x2188] =	vst v63  }
0x34: {  	s19 =	simm.s32 $0x680;
	v38 =	vadd.s32 v1, v22;
	v18 =	vperm.xlane v18, v17  }
0x35: {  	[tilespmem:s19], [sflag:$0x1] =	stream.indirect_vreg.gather [hbm4b:s8+s5], $0x80, v20, vm0, $0xb8;
	[tilespmem:$0x2188] =	vst v63  }
0x36: {  	s20 =	simm.s32 $0x700;
	v18 =	vadd.s32 v1, v18  }
0x37: {  	[tilespmem:s20], [sflag:$0x1] =	stream.indirect_vreg.gather [hbm4b:s8+s5], $0x80, v21, vm0, $0xb8;
	[tilespmem:$0x2188] =	vst v63  }
0x38: {  	s21 =	simm.s32 $0x780  }
0x39: {  	[tilespmem:s21], [sflag:$0x1] =	stream.indirect_vreg.gather [hbm4b:s8+s5], $0x80, v38, vm0, $0xb8;
	[tilespmem:$0x2188] =	vst v63  }
0x3a: {  	s22 =	simm.s32 $0x800  }
0x3b: {  	[tilespmem:s22], [sflag:$0x1] =	stream.indirect_vreg.gather [hbm4b:s8+s5], $0x80, v18, vm0, $0xb8;
	[tilespmem:$0x2188] =	vst v63  }
0x3c: {  	v18 =	vld [tilespmem:$0x10];
	_ =	sdelay $0x4  }
0x3d: {  	v39 =	vshll.u32 v18, $0x3  }
0x3e: {  	v18 =	vand.u32 $0x7, v18;
	v19 =	vand.u32 $0xFFFFFFC0, v39  }
0x3f: {  	v18 =	vor.u32 v18, v19  }
0x40: {  	v19 =	vperm.xlane v18, v2;
	_ =	sdelay $0x1  }
0x41: {  	v40 =	vperm.xlane v18, v3;
	v19 =	vadd.s32 v1, v19;
	_ =	sdelay $0x1  }
0x42: {  	v41 =	vperm.xlane v18, v4;
	v20 =	vadd.s32 v1, v40;
	_ =	sdelay $0x1  }
0x43: {  	s23 =	simm.s32 $0x880;
	v42 =	vperm.xlane v18, v5;
	v21 =	vadd.s32 v1, v41  }
0x44: {  	[tilespmem:s23], [sflag:$0x1] =	stream.indirect_vreg.gather [hbm4b:s8+s5], $0x80, v19, vm0, $0xb8;
	[tilespmem:$0x2188] =	vst v63  }
0x45: {  	s24 =	simm.s32 $0x900;
	v44 =	vperm.xlane v18, v6;
	v43 =	vadd.s32 v1, v42  }
0x46: {  	[tilespmem:s24], [sflag:$0x1] =	stream.indirect_vreg.gather [hbm4b:s8+s5], $0x80, v20, vm0, $0xb8;
	[tilespmem:$0x2188] =	vst v63  }
0x47: {  	s25 =	simm.s32 $0x980;
	v46 =	vperm.xlane v18, v7;
	v45 =	vadd.s32 v1, v44  }
0x48: {  	[tilespmem:s25], [sflag:$0x1] =	stream.indirect_vreg.gather [hbm4b:s8+s5], $0x80, v21, vm0, $0xb8;
	[tilespmem:$0x2188] =	vst v63  }
0x49: {  	s26 =	simm.s32 $0xA00;
	v48 =	vperm.xlane v18, v9;
	v47 =	vadd.s32 v1, v46  }
0x4a: {  	[tilespmem:s26], [sflag:$0x1] =	stream.indirect_vreg.gather [hbm4b:s8+s5], $0x80, v43, vm0, $0xb8;
	[tilespmem:$0x2188] =	vst v63  }
0x4b: {  	s28 =	simm.s32 $0xA80;
	v50 =	vperm.xlane v18, v8;
	v49 =	vadd.s32 v1, v48  }
0x4c: {  	[tilespmem:s28], [sflag:$0x1] =	stream.indirect_vreg.gather [hbm4b:s8+s5], $0x80, v45, vm0, $0xb8;
	[tilespmem:$0x2188] =	vst v63  }
0x4d: {  	s29 =	simm.s32 $0xB00;
	v52 =	vperm.xlane v18, v10;
	v51 =	vadd.s32 v1, v50  }
0x4e: {  	[tilespmem:s29], [sflag:$0x1] =	stream.indirect_vreg.gather [hbm4b:s8+s5], $0x80, v47, vm0, $0xb8;
	[tilespmem:$0x2188] =	vst v63  }
0x4f: {  	s30 =	simm.s32 $0xB80;
	v54 =	vperm.xlane v18, v11;
	v53 =	vadd.s32 v1, v52  }
0x50: {  	[tilespmem:s30], [sflag:$0x1] =	stream.indirect_vreg.gather [hbm4b:s8+s5], $0x80, v49, vm0, $0xb8;
	[tilespmem:$0x2188] =	vst v63  }
0x51: {  	s31 =	simm.s32 $0xC00;
	v56 =	vperm.xlane v18, v12;
	v55 =	vadd.s32 v1, v54  }
0x52: {  	[tilespmem:s31], [sflag:$0x1] =	stream.indirect_vreg.gather [hbm4b:s8+s5], $0x80, v51, vm0, $0xb8;
	[tilespmem:$0x2188] =	vst v63  }
0x53: {  	s10 =	simm.s32 $0xC80;
	v58 =	vperm.xlane v18, v13;
	v57 =	vadd.s32 v1, v56  }
0x54: {  	[tilespmem:s10], [sflag:$0x1] =	stream.indirect_vreg.gather [hbm4b:s8+s5], $0x80, v53, vm0, $0xb8;
	[tilespmem:$0x2188] =	vst v63  }
0x55: {  	s11 =	simm.s32 $0xD00;
	v60 =	vperm.xlane v18, v14;
	v59 =	vadd.s32 v1, v58  }
0x56: {  	[tilespmem:s11], [sflag:$0x1] =	stream.indirect_vreg.gather [hbm4b:s8+s5], $0x80, v55, vm0, $0xb8;
	[tilespmem:$0x2188] =	vst v63  }
0x57: {  	s12 =	simm.s32 $0xD80;
	v62 =	vperm.xlane v18, v15;
	v61 =	vadd.s32 v1, v60  }
0x58: {  	[tilespmem:s12], [sflag:$0x1] =	stream.indirect_vreg.gather [hbm4b:s8+s5], $0x80, v57, vm0, $0xb8;
	[tilespmem:$0x2188] =	vst v63  }
0x59: {  	s13 =	simm.s32 $0xE00;
	v24 =	vperm.xlane v18, v16;
	v63 =	vadd.s32 v1, v62  }
0x5a: {  	[tilespmem:s13], [sflag:$0x1] =	stream.indirect_vreg.gather [hbm4b:s8+s5], $0x80, v59, vm0, $0xb8;
	[tilespmem:$0x2188] =	vst v63  }
0x5b: {  	s14 =	simm.s32 $0xE80;
	v18 =	vperm.xlane v18, v17;
	v25 =	vadd.s32 v1, v24  }
0x5c: {  	[tilespmem:s14], [sflag:$0x1] =	stream.indirect_vreg.gather [hbm4b:s8+s5], $0x80, v61, vm0, $0xb8;
	[tilespmem:$0x2188] =	vst v63  }
0x5d: {  	s15 =	simm.s32 $0xF00;
	v18 =	vadd.s32 v1, v18  }
0x5e: {  	[tilespmem:s15], [sflag:$0x1] =	stream.indirect_vreg.gather [hbm4b:s8+s5], $0x80, v63, vm0, $0xb8;
	[tilespmem:$0x2188] =	vst v63  }
0x5f: {  	s16 =	simm.s32 $0xF80  }
0x60: {  	[tilespmem:s16], [sflag:$0x1] =	stream.indirect_vreg.gather [hbm4b:s8+s5], $0x80, v25, vm0, $0xb8;
	[tilespmem:$0x2188] =	vst v63  }
0x61: {  	s17 =	simm.s32 $0x1000  }
0x62: {  	[tilespmem:s17], [sflag:$0x1] =	stream.indirect_vreg.gather [hbm4b:s8+s5], $0x80, v18, vm0, $0xb8;
	[tilespmem:$0x2188] =	vst v63  }
0x63: {  	v18 =	vld [tilespmem:$0x20];
	_ =	sdelay $0x4  }
0x64: {  	v26 =	vshll.u32 v18, $0x3  }
0x65: {  	v18 =	vand.u32 $0x7, v18;
	v19 =	vand.u32 $0xFFFFFFC0, v26  }
0x66: {  	v18 =	vor.u32 v18, v19  }
0x67: {  	v19 =	vperm.xlane v18, v2;
	_ =	sdelay $0x1  }
0x68: {  	v27 =	vperm.xlane v18, v3;
	v19 =	vadd.s32 v1, v19;
	_ =	sdelay $0x1  }
0x69: {  	v28 =	vperm.xlane v18, v4;
	v20 =	vadd.s32 v1, v27;
	_ =	sdelay $0x1  }
0x6a: {  	s18 =	simm.s32 $0x1080;
	v29 =	vperm.xlane v18, v5;
	v21 =	vadd.s32 v1, v28  }
0x6b: {  	[tilespmem:s18], [sflag:$0x1] =	stream.indirect_vreg.gather [hbm4b:s8+s5], $0x80, v19, vm0, $0xb8;
	[tilespmem:$0x2188] =	vst v63  }
0x6c: {  	s19 =	simm.s32 $0x1100;
	v31 =	vperm.xlane v18, v6;
	v30 =	vadd.s32 v1, v29  }
0x6d: {  	[tilespmem:s19], [sflag:$0x1] =	stream.indirect_vreg.gather [hbm4b:s8+s5], $0x80, v20, vm0, $0xb8;
	[tilespmem:$0x2188] =	vst v63  }
0x6e: {  	s20 =	simm.s32 $0x1180;
	v33 =	vperm.xlane v18, v7;
	v32 =	vadd.s32 v1, v31  }
0x6f: {  	[tilespmem:s20], [sflag:$0x1] =	stream.indirect_vreg.gather [hbm4b:s8+s5], $0x80, v21, vm0, $0xb8;
	[tilespmem:$0x2188] =	vst v63  }
0x70: {  	s21 =	simm.s32 $0x1200;
	v35 =	vperm.xlane v18, v9;
	v34 =	vadd.s32 v1, v33  }
0x71: {  	[tilespmem:s21], [sflag:$0x1] =	stream.indirect_vreg.gather [hbm4b:s8+s5], $0x80, v30, vm0, $0xb8;
	[tilespmem:$0x2188] =	vst v63  }
0x72: {  	s22 =	simm.s32 $0x1280;
	v37 =	vperm.xlane v18, v8;
	v36 =	vadd.s32 v1, v35  }
0x73: {  	[tilespmem:s22], [sflag:$0x1] =	stream.indirect_vreg.gather [hbm4b:s8+s5], $0x80, v32, vm0, $0xb8;
	[tilespmem:$0x2188] =	vst v63  }
0x74: {  	s23 =	simm.s32 $0x1300;
	v39 =	vperm.xlane v18, v10;
	v38 =	vadd.s32 v1, v37  }
0x75: {  	[tilespmem:s23], [sflag:$0x1] =	stream.indirect_vreg.gather [hbm4b:s8+s5], $0x80, v34, vm0, $0xb8;
	[tilespmem:$0x2188] =	vst v63  }
0x76: {  	s24 =	simm.s32 $0x1380;
	v41 =	vperm.xlane v18, v11;
	v40 =	vadd.s32 v1, v39  }
0x77: {  	[tilespmem:s24], [sflag:$0x1] =	stream.indirect_vreg.gather [hbm4b:s8+s5], $0x80, v36, vm0, $0xb8;
	[tilespmem:$0x2188] =	vst v63  }
0x78: {  	s25 =	simm.s32 $0x1400;
	v43 =	vperm.xlane v18, v12;
	v42 =	vadd.s32 v1, v41  }
0x79: {  	[tilespmem:s25], [sflag:$0x1] =	stream.indirect_vreg.gather [hbm4b:s8+s5], $0x80, v38, vm0, $0xb8;
	[tilespmem:$0x2188] =	vst v63  }
0x7a: {  	s26 =	simm.s32 $0x1480;
	v45 =	vperm.xlane v18, v13;
	v44 =	vadd.s32 v1, v43  }
0x7b: {  	[tilespmem:s26], [sflag:$0x1] =	stream.indirect_vreg.gather [hbm4b:s8+s5], $0x80, v40, vm0, $0xb8;
	[tilespmem:$0x2188] =	vst v63  }
0x7c: {  	s28 =	simm.s32 $0x1500;
	v47 =	vperm.xlane v18, v14;
	v46 =	vadd.s32 v1, v45  }
0x7d: {  	[tilespmem:s28], [sflag:$0x1] =	stream.indirect_vreg.gather [hbm4b:s8+s5], $0x80, v42, vm0, $0xb8;
	[tilespmem:$0x2188] =	vst v63  }
0x7e: {  	s29 =	simm.s32 $0x1580;
	v49 =	vperm.xlane v18, v15;
	v48 =	vadd.s32 v1, v47  }
0x7f: {  	[tilespmem:s29], [sflag:$0x1] =	stream.indirect_vreg.gather [hbm4b:s8+s5], $0x80, v44, vm0, $0xb8;
	[tilespmem:$0x2188] =	vst v63  }
0x80: {  	s30 =	simm.s32 $0x1600;
	v51 =	vperm.xlane v18, v16;
	v50 =	vadd.s32 v1, v49  }
0x81: {  	[tilespmem:s30], [sflag:$0x1] =	stream.indirect_vreg.gather [hbm4b:s8+s5], $0x80, v46, vm0, $0xb8;
	[tilespmem:$0x2188] =	vst v63  }
0x82: {  	s31 =	simm.s32 $0x1680;
	v18 =	vperm.xlane v18, v17;
	v52 =	vadd.s32 v1, v51  }
0x83: {  	[tilespmem:s31], [sflag:$0x1] =	stream.indirect_vreg.gather [hbm4b:s8+s5], $0x80, v48, vm0, $0xb8;
	[tilespmem:$0x2188] =	vst v63  }
0x84: {  	s10 =	simm.s32 $0x1700;
	v18 =	vadd.s32 v1, v18  }
0x85: {  	[tilespmem:s10], [sflag:$0x1] =	stream.indirect_vreg.gather [hbm4b:s8+s5], $0x80, v50, vm0, $0xb8;
	[tilespmem:$0x2188] =	vst v63  }
0x86: {  	s11 =	simm.s32 $0x1780  }
0x87: {  	[tilespmem:s11], [sflag:$0x1] =	stream.indirect_vreg.gather [hbm4b:s8+s5], $0x80, v52, vm0, $0xb8;
	[tilespmem:$0x2188] =	vst v63  }
0x88: {  	s12 =	simm.s32 $0x1800  }
0x89: {  	[tilespmem:s12], [sflag:$0x1] =	stream.indirect_vreg.gather [hbm4b:s8+s5], $0x80, v18, vm0, $0xb8;
	[tilespmem:$0x2188] =	vst v63  }
0x8a: {  	v18 =	vld [tilespmem:$0x30];
	_ =	sdelay $0x4  }
0x8b: {  	v53 =	vshll.u32 v18, $0x3  }
0x8c: {  	v18 =	vand.u32 $0x7, v18;
	v19 =	vand.u32 $0xFFFFFFC0, v53  }
0x8d: {  	v18 =	vor.u32 v18, v19  }
0x8e: {  	v2 =	vperm.xlane v18, v2;
	_ =	sdelay $0x1  }
0x8f: {  	v3 =	vperm.xlane v18, v3;
	v2 =	vadd.s32 v1, v2;
	_ =	sdelay $0x1  }
0x90: {  	v4 =	vperm.xlane v18, v4;
	v3 =	vadd.s32 v1, v3;
	_ =	sdelay $0x1  }
0x91: {  	s13 =	simm.s32 $0x1880;
	v5 =	vperm.xlane v18, v5;
	v4 =	vadd.s32 v1, v4  }
0x92: {  	[tilespmem:s13], [sflag:$0x1] =	stream.indirect_vreg.gather [hbm4b:s8+s5], $0x80, v2, vm0, $0xb8;
	[tilespmem:$0x2188] =	vst v63  }
0x93: {  	s14 =	simm.s32 $0x1900;
	v55 =	vperm.xlane v18, v6;
	v54 =	vadd.s32 v1, v5  }
0x94: {  	[tilespmem:s14], [sflag:$0x1] =	stream.indirect_vreg.gather [hbm4b:s8+s5], $0x80, v3, vm0, $0xb8;
	[tilespmem:$0x2188] =	vst v63  }
0x95: {  	s15 =	simm.s32 $0x1980;
	v57 =	vperm.xlane v18, v7;
	v56 =	vadd.s32 v1, v55  }
0x96: {  	[tilespmem:s15], [sflag:$0x1] =	stream.indirect_vreg.gather [hbm4b:s8+s5], $0x80, v4, vm0, $0xb8;
	[tilespmem:$0x2188] =	vst v63  }
0x97: {  	s16 =	simm.s32 $0x1A00;
	v59 =	vperm.xlane v18, v9;
	v58 =	vadd.s32 v1, v57  }
0x98: {  	[tilespmem:s16], [sflag:$0x1] =	stream.indirect_vreg.gather [hbm4b:s8+s5], $0x80, v54, vm0, $0xb8;
	[tilespmem:$0x2188] =	vst v63  }
0x99: {  	s17 =	simm.s32 $0x1A80;
	v61 =	vperm.xlane v18, v8;
	v60 =	vadd.s32 v1, v59  }
0x9a: {  	[tilespmem:s17], [sflag:$0x1] =	stream.indirect_vreg.gather [hbm4b:s8+s5], $0x80, v56, vm0, $0xb8;
	[tilespmem:$0x2188] =	vst v63  }
0x9b: {  	s18 =	simm.s32 $0x1B00;
	v63 =	vperm.xlane v18, v10;
	v62 =	vadd.s32 v1, v61  }
0x9c: {  	[tilespmem:s18], [sflag:$0x1] =	stream.indirect_vreg.gather [hbm4b:s8+s5], $0x80, v58, vm0, $0xb8;
	[tilespmem:$0x2188] =	vst v63  }
0x9d: {  	s19 =	simm.s32 $0x1B80;
	v9 =	vperm.xlane v18, v11;
	v8 =	vadd.s32 v1, v63  }
0x9e: {  	[tilespmem:s19], [sflag:$0x1] =	stream.indirect_vreg.gather [hbm4b:s8+s5], $0x80, v60, vm0, $0xb8;
	[tilespmem:$0x2188] =	vst v63  }
0x9f: {  	s20 =	simm.s32 $0x1C00;
	v11 =	vperm.xlane v18, v12;
	v10 =	vadd.s32 v1, v9  }
0xa0: {  	[tilespmem:s20], [sflag:$0x1] =	stream.indirect_vreg.gather [hbm4b:s8+s5], $0x80, v62, vm0, $0xb8;
	[tilespmem:$0x2188] =	vst v63  }
0xa1: {  	s21 =	simm.s32 $0x1C80;
	v13 =	vperm.xlane v18, v13;
	v12 =	vadd.s32 v1, v11  }
0xa2: {  	[tilespmem:s21], [sflag:$0x1] =	stream.indirect_vreg.gather [hbm4b:s8+s5], $0x80, v8, vm0, $0xb8;
	[tilespmem:$0x2188] =	vst v63  }
0xa3: {  	s22 =	simm.s32 $0x1D00;
	v20 =	vperm.xlane v18, v14;
	v19 =	vadd.s32 v1, v13  }
0xa4: {  	[tilespmem:s22], [sflag:$0x1] =	stream.indirect_vreg.gather [hbm4b:s8+s5], $0x80, v10, vm0, $0xb8;
	[tilespmem:$0x2188] =	vst v63  }
0xa5: {  	s23 =	simm.s32 $0x1D80;
	v22 =	vperm.xlane v18, v15;
	v21 =	vadd.s32 v1, v20  }
0xa6: {  	[tilespmem:s23], [sflag:$0x1] =	stream.indirect_vreg.gather [hbm4b:s8+s5], $0x80, v12, vm0, $0xb8;
	[tilespmem:$0x2188] =	vst v63  }
0xa7: {  	s24 =	simm.s32 $0x1E00;
	v24 =	vperm.xlane v18, v16;
	v23 =	vadd.s32 v1, v22  }
0xa8: {  	[tilespmem:s24], [sflag:$0x1] =	stream.indirect_vreg.gather [hbm4b:s8+s5], $0x80, v19, vm0, $0xb8;
	[tilespmem:$0x2188] =	vst v63  }
0xa9: {  	s25 =	simm.s32 $0x1E80;
	v26 =	vperm.xlane v18, v17;
	v25 =	vadd.s32 v1, v24  }
0xaa: {  	[tilespmem:s25], [sflag:$0x1] =	stream.indirect_vreg.gather [hbm4b:s8+s5], $0x80, v21, vm0, $0xb8;
	[tilespmem:$0x2188] =	vst v63  }
0xab: {  	s26 =	simm.s32 $0x1F00;
	v1 =	vadd.s32 v1, v26  }
0xac: {  	[tilespmem:s26], [sflag:$0x1] =	stream.indirect_vreg.gather [hbm4b:s8+s5], $0x80, v23, vm0, $0xb8;
	[tilespmem:$0x2188] =	vst v63  }
0xad: {  	v27 =	vor.u32 s7, v0;
	v28 =	vmul.u32 $0x80, v0;
	s28 =	simm.s32 $0x1F80  }
0xae: {  	v2 =	vand.u32 $0x4F, v27;
	[tilespmem:s28], [sflag:$0x1] =	stream.indirect_vreg.gather [hbm4b:s8+s5], $0x80, v25, vm0, $0xb8;
	[tilespmem:$0x2188] =	vst v63  }
0xaf: {  	s29 =	simm.s32 $0x2000;
	s30 =	simm.s32 $0x1;
	v29 =	vor.u32 v28, v2  }
0xb0: {  	[tilespmem:s29], [sflag:$0x1] =	stream.indirect_vreg.gather [hbm4b:s8+s5], $0x80, v1, vm0, $0xb8;
	[tilespmem:$0x2188] =	vst v63  }
0xb1: {  	_ =	swait.ge [sflag:s30], $0x2000  }
0xb2: {  	v30 =	vor.u32 $0x10, v0;
	[sflag:s30] =	ssyncset.done $0x0  }
0xb3: {  	v2 =	vor.u32 s7, v30;
	[sflag:s30] =	ssyncadd.s32 $0xFFFFE000  }
0xb4: {  	v31 =	vor.u32 $0x800, v28;
	v2 =	vand.u32 $0x5F, v2;
	v1 =	vld.idx.msk [tilespmem:v29+s6+$0x0], $0xffff  }
0xb5: {  	v32 =	vor.u32 $0x20, v0;
	v2 =	vor.u32 v31, v2  }
0xb6: {  	v4 =	vor.u32 s7, v32  }
0xb7: {  	v33 =	vor.u32 $0x1000, v28;
	v34 =	vor.u32 $0x30, v0;
	v4 =	vand.u32 $0x6F, v4  }
0xb8: {  	v5 =	vor.u32 s7, v34;
	v4 =	vor.u32 v33, v4  }
0xb9: {  	v5 =	vand.u32 $0x7F, v5;
	v3 =	vor.u32 $0x1800, v28;
	v35 =	vand.u32 $0x7FFFFF, v1  }
0xba: {  	v3 =	vor.u32 v3, v5;
	v2 =	vld.idx.msk [tilespmem:v2+s6+$0x0], $0xffff;
	v6 =	vor.u32 $0x3F800000, v35  }
0xbb: {  	v36 =	vadd.f32 $1.000000000e+00, v6;
	_ =	sdelay $0x1  }
0xbc: {  	v4 =	vld.idx.msk [tilespmem:v4+s6+$0x0], $0xffff;
	(erf) = vrcp.f32 v36;
	_ =	sdelay $0x1  }
0xbd: {  	v3 =	vld.idx.msk [tilespmem:v3+s6+$0x0], $0xffff;
	v37 =	vand.u32 $0x7FFFFF, v2  }
0xbe: {  	v5 =	vor.u32 $0x3F800000, v37  }
0xbf: {  	v38 =	vadd.f32 $1.000000000e+00, v5  }
0xc0: {  	v39 =	vand.u32 $0x7FFFFF, v4  }
0xc1: {  	v40 =	vor.u32 $0x3F800000, v39;
	(erf) = vrcp.f32 v38  }
0xc2: {  	v41 =	vand.u32 $0x7FFFFF, v3;
	v8 =	vadd.f32 $1.000000000e+00, v40  }
0xc3: {  	v43 =	vor.u32 $0x3F800000, v41  }
0xc4: {  	v9 =	vadd.f32 $1.000000000e+00, v43;
	v42 =	vpop (erf);
	(erf) = vrcp.f32 v8  }
0xc5: {  	v6 =	vadd.f32 $-1.000000000e+00, v6  }
0xc6: {  	(erf) = vrcp.f32 v9  }
0xc7: {  	v6 =	vmul.f32 v42, v6;
	_ =	sdelay $0x1  }
0xc8: {  	v5 =	vadd.f32 $-1.000000000e+00, v5;
	v10 =	vmul.f32 v6, v6  }
0xc9: {  	v45 =	vpop (erf)  }
0xca: {  	v5 =	vmul.f32 v45, v5;
	v44 =	vmul.f32 $1.111111120e-01, v10  }
0xcb: {  	v7 =	vadd.f32 $-1.000000000e+00, v40  }
0xcc: {  	v47 =	vmul.f32 v5, v5;
	v9 =	vadd.f32 $1.428571490e-01, v44;
	v46 =	vpop (erf)  }
0xcd: {  	v8 =	vadd.f32 $-1.000000000e+00, v43;
	v7 =	vmul.f32 v46, v7  }
0xce: {  	v48 =	vmul.f32 $1.111111120e-01, v47;
	v9 =	vmul.f32 v9, v10;
	v50 =	vpop (erf)  }
0xcf: {  	v8 =	vmul.f32 v50, v8;
	v49 =	vmul.f32 v7, v7  }
0xd0: {  	v11 =	vadd.f32 $1.428571490e-01, v48;
	v9 =	vadd.f32 $2.000000030e-01, v9  }
0xd1: {  	v1 =	vshrl.u32 v1, $0x17;
	v52 =	vmul.f32 v8, v8;
	v51 =	vmul.f32 $1.111111120e-01, v49  }
0xd2: {  	v2 =	vshrl.u32 v2, $0x17;
	v11 =	vmul.f32 v11, v47;
	v9 =	vmul.f32 v9, v10  }
0xd3: {  	v4 =	vshrl.u32 v4, $0x17;
	v54 =	vmul.f32 $1.111111120e-01, v52;
	v14 =	vadd.f32 $1.428571490e-01, v51  }
0xd4: {  	v3 =	vshrl.u32 v3, $0x17;
	v53 =	vadd.f32 $2.000000030e-01, v11;
	v9 =	vadd.f32 $3.333333430e-01, v9  }
0xd5: {  	v1 =	vadd.s32 $0xFFFFFF81, v1;
	v11 =	vadd.f32 $1.428571490e-01, v54;
	v14 =	vmul.f32 v14, v49  }
0xd6: {  	v2 =	vadd.s32 $0xFFFFFF81, v2;
	v9 =	vmul.f32 v9, v10;
	v10 =	vmul.f32 v53, v47  }
0xd7: {  	v1 =	vcvt.s32.f32 v1;
	v11 =	vmul.f32 v11, v52;
	v14 =	vadd.f32 $2.000000030e-01, v14  }
0xd8: {  	v2 =	vcvt.s32.f32 v2;
	v6 =	vadd.f32 v6, v6;
	v10 =	vadd.f32 $3.333333430e-01, v10  }
0xd9: {  	v9 =	vadd.f32 $1.000000000e+00, v9;
	v11 =	vadd.f32 $2.000000030e-01, v11;
	v55 =	vmul.f32 v14, v49  }
0xda: {  	v4 =	vadd.s32 $0xFFFFFF81, v4;
	v1 =	vmul.f32 $6.931471820e-01, v1;
	v10 =	vmul.f32 v10, v47  }
0xdb: {  	v6 =	vmul.f32 v9, v6;
	v58 =	vmul.f32 v11, v52;
	v56 =	vadd.f32 $3.333333430e-01, v55  }
0xdc: {  	v4 =	vcvt.s32.f32 v4;
	v5 =	vadd.f32 v5, v5;
	v57 =	vadd.f32 $1.000000000e+00, v10  }
0xdd: {  	v1 =	vadd.f32 v6, v1;
	v59 =	vadd.f32 $3.333333430e-01, v58;
	v6 =	vmul.f32 v56, v49  }
0xde: {  	v3 =	vadd.s32 $0xFFFFFF81, v3;
	v2 =	vmul.f32 $6.931471820e-01, v2;
	v5 =	vmul.f32 v57, v5  }
0xdf: {  	v7 =	vadd.f32 v7, v7;
	v60 =	vmul.f32 v59, v52;
	v6 =	vadd.f32 $1.000000000e+00, v6  }
0xe0: {  	v3 =	vcvt.s32.f32 v3;
	v4 =	vmul.f32 $6.931471820e-01, v4;
	v2 =	vadd.f32 v5, v2  }
0xe1: {  	v61 =	vadd.f32 v8, v8;
	v5 =	vadd.f32 $1.000000000e+00, v60;
	v6 =	vmul.f32 v6, v7  }
0xe2: {  	v1 =	vsub.f32 $0.0e+00, v1;
	v2 =	vsub.f32 $0.0e+00, v2  }
0xe3: {  	v3 =	vmul.f32 $6.931471820e-01, v3;
	v5 =	vmul.f32 v5, v61;
	v4 =	vadd.f32 v6, v4  }
0xe4: {  	v1 =	vadd.f32 v2, v1  }
0xe5: {  	v3 =	vadd.f32 v5, v3;
	v62 =	vsub.f32 $0.0e+00, v4;
	_ =	sdelay $0x1  }
0xe6: {  	v63 =	vsub.f32 $0.0e+00, v3;
	v1 =	vadd.f32 v62, v1;
	_ =	sdelay $0x1  }
0xe7: {  	v1 =	vadd.f32 v63, v1;
	_ =	sdelay $0x1  }
0xe8: {  	vm15 =	vmmov $0xffff;
	s31 =	simm.s32 $0x2080;
	[tilespmem:$0x2080] =	vst v1  }
0xe9: {  	[spmem:s3] =	stream.indirect_vreg.scatter.add.f32 [tilespmem:s31], [sflag:$0x2], $0x1, v0, vm15, $0xb8;
	[tilespmem:$0x2188] =	vst v63  }
0xea: {  	_ =	swait.ge [sflag:s4], $0x10  }
0xeb: {  	[sflag:s4] =	ssyncset.done $0x0  }
0xec: {  	[sflag:s4] =	ssyncadd.s32 $0xFFFFFFF0  }
0xed: {  	[bflag:$0x0] =	sbarrier.arrive $0xFFFF  }
0xee: {  	_ =	sfence.sel @p0 $0x180000  }
0xef: {  	[bflag:$0x0] =	sbarrier.arrive @p0 $0xFFFF  }
0xf0: {  	_ =	strace @p0 $0x90000047  }
0xf1: {  	s4 =	simm.s32 @!p0 $0x2100;
	[bflag:$0x2] =	sbarrier.arrive @p0 $0xFFFF  }
0xf2: {  	[tilespmem:s4], [sflag:$0x2] =	stream.linear.gather @!p0 [spmem:s3], $0x80, $0x38;
	[tilespmem:$0x2188] =	vst v63  }
0xf3: {  	_ =	swait.ge @!p0 [sflag:s2], $0x80  }
0xf4: {  	[sflag:s2] =	ssyncset.done @!p0 $0x0  }
0xf5: {  	[sflag:s2] =	ssyncadd.s32 @!p0 $0xFFFFFF80  }
0xf6: {  	v0 =	vld @!p0 [tilespmem:$0x2100];
	_ =	sdelay $0x4  }
0xf7: {  	(xrf2) =	vadd.scan.msk.f32 @!p0 $0xffff, v0;
	_ =	sdelay $0x9  }
0xf8: {  	v0, _, _ =	vpop @!p0 (xrf2)  }
0xf9: {  	v0 =	vbroadcast @!p0 v0, $0xF;
	_ =	sdelay $0x1  }
0xfa: {  	s3 =	simm.s32 @!p0 $0x0;
	[tilespmem:$0x2100] =	vst @!p0 v0  }
0xfb: {  	[hbm4b:s1+s3] =	stream.linear.scatter @!p0 [tilespmem:s4], [sflag:$0x2], $0x1, $0x38;
	[tilespmem:$0x2188] =	vst v63  }
0xfc: {  	_ =	swait.ge @!p0 [sflag:s2], $0x1  }
0xfd: {  	[sflag:s2] =	ssyncset.done @!p0 $0x0  }
0xfe: {  	[sflag:s2] =	ssyncadd.s32 @!p0 $0xFFFFFFFF  }
0xff: {  	_ =	sfence.sel @!p0 $0x180000  }
0x100: {  	[bflag:$0x0] =	sbarrier.arrive @!p0 $0xFFFF  }
0x101: {  	_ =	strace @!p0 $0x90000047  }
0x102: {  	s0 =	sadd.s32 @!p0 $0x100000, s0;
	[bflag:$0x2] =	sbarrier.arrive @!p0 $0xFFFF  }
0x103: {  	[sflag:s0] =	ssyncadd.tile.s32 @!p0 $0x1;
	_ =	shalt  }
.Lfunc_end2:
_tile_overlayer_lowered:
.L_overlay_start_2:
0x104: {  	(tag) =	ssettag $0x2  }
0x105: {  	s0 =	rddreg [dreg:$0x0];
	s2 =	stileid.u32  }
0x106: {  	s1 =	rddreg [dreg:$0x1];
	p0 =	sne.s32 s2, $0x0  }
0x107: {  	s3 =	rddreg [dreg:$0x2];
	[bflag:$0x3] =	sbarrier.arrive $0xFFFF;
	s2 =	simm.s32 @!p0 $0x1C02  }
0x108: {  	[timem:s3], [sflag:s2] =	dma.local @!p0 [hbm:s0], s1  }
0x109: {  	s0 =	simm.s32 @!p0 $0x2  }
0x10a: {  	_ =	swait.ge @!p0 [sflag:s0], s1  }
0x10b: {  	s1 =	ssub.s32 @!p0 $0x0, s1;
	[sflag:s0] =	ssyncset.done @!p0 $0x0  }
0x10c: {  	[sflag:s0] =	ssyncadd.s32 @!p0 s1  }
0x10d: {  	[bflag:$0x3] =	sbarrier.arrive $0xFFFF  }
0x10e: {  	_ =	shalt  }

</sc_bundles>
